<compile_context>
chip_gen: v7x
topology: tpu7x:2x2x1
jax: 0.10.2.dev20260603
libtpu: 0.0.44.dev20260713+nightly
codegen_flags: <defaults>
</compile_context>

<pallas_src>
import functools

import jax
import jax.numpy as jnp
from jax import lax
from jax.experimental import pallas as pl
from jax.experimental.pallas import tpu as pltpu
from jax.experimental.pallas import tpu_sc as plsc

N = 10000
E = 160000
D = 256
H = 128
EPS = 1e-5

NC = 2
NS = 16
BATCH = 128
NBATCH = 80
EPT = NBATCH * BATCH
E_PAD = NS * EPT
DUMMY = N
ACC_ROWS = NS * 5 * BATCH
ROWS_PER_TILE = ACC_ROWS // NS

_mesh = plsc.VectorSubcoreMesh(core_axis_name="c", subcore_axis_name="s")


@functools.partial(
    pl.kernel,
    out_type=[
        jax.ShapeDtypeStruct((ACC_ROWS, H), jnp.float32),
        jax.ShapeDtypeStruct((ACC_ROWS, H), jnp.float32),
    ],
    mesh=_mesh,
    scratch_types=[
        pltpu.VMEM((NBATCH, BATCH), jnp.int32),
        pltpu.VMEM((NBATCH, BATCH), jnp.int32),
        pltpu.VMEM((BATCH, H), jnp.float32),
        pltpu.VMEM_SHARED((ACC_ROWS, H), jnp.float32),
        pltpu.SemaphoreType.DMA,
    ],
)
def _sc_segment_sum(x0_hbm, x1_hbm, src_hbm, dst_hbm, agg0_hbm, agg1_hbm,
                    srcb, dstb, rows, acc, sem):
    cid = lax.axis_index("c")
    sid = lax.axis_index("s")

    def _zero_row(i, carry):
        for k in range(H // 16):
            rows[i, pl.ds(k * 16, 16)] = jnp.zeros((16,), jnp.float32)
        return carry

    lax.fori_loop(0, BATCH, _zero_row, 0)
    for j in range(ROWS_PER_TILE // BATCH):
        pltpu.sync_copy(rows, acc.at[pl.ds(sid * ROWS_PER_TILE + j * BATCH, BATCH)])

    pltpu.sync_copy(src_hbm.at[sid], srcb)
    pltpu.sync_copy(dst_hbm.at[sid], dstb)
    plsc.subcore_barrier()

    def _process(x_hbm):
        def step(j, carry):
            pltpu.async_copy(x_hbm.at[srcb.at[j]], rows, sem).wait()
            pltpu.sync_copy(rows, acc.at[dstb.at[j]], add=True)
            return carry
        lax.fori_loop(0, NBATCH, step, 0)

    @pl.when(cid == 0)
    def _():
        _process(x0_hbm)

    @pl.when(cid == 1)
    def _():
        _process(x1_hbm)

    plsc.subcore_barrier()

    def _copy_out(agg_hbm):
        for k in range(ROWS_PER_TILE // BATCH):
            r0 = sid * ROWS_PER_TILE + k * BATCH
            pltpu.sync_copy(acc.at[pl.ds(r0, BATCH)], rows)
            pltpu.sync_copy(rows, agg_hbm.at[pl.ds(r0, BATCH)])

    @pl.when(cid == 0)
    def _():
        _copy_out(agg0_hbm)

    @pl.when(cid == 1)
    def _():
        _copy_out(agg1_hbm)


BLK = 400
NBLK = N // BLK


def _tc_body(agg0_ref, agg1_ref, x_ref, wr0_ref, wr1_ref, wroot_ref,
             brel_ref, gamma_ref, beta_ref, out_ref, obuf, ssum, ssq, scl, sft):
    p = pl.program_id(0)
    i = pl.program_id(1)

    @pl.when(p == 0)
    def _():
        o = (jnp.dot(agg0_ref[...], wr0_ref[...], preferred_element_type=jnp.float32)
             + jnp.dot(agg1_ref[...], wr1_ref[...], preferred_element_type=jnp.float32)
             + jnp.dot(x_ref[...], wroot_ref[...], preferred_element_type=jnp.float32)
             + brel_ref[...])
        obuf[pl.ds(i * BLK, BLK), :] = o
        s = jnp.sum(o, axis=0, keepdims=True)
        q = jnp.sum(o * o, axis=0, keepdims=True)

        @pl.when(i == 0)
        def _():
            ssum[...] = s
            ssq[...] = q

        @pl.when(i > 0)
        def _():
            ssum[...] += s
            ssq[...] += q

    @pl.when(p == 1)
    def _():
        @pl.when(i == 0)
        def _():
            mean = ssum[...] / N
            var = ssq[...] / N - mean * mean
            g = gamma_ref[...] * lax.rsqrt(var + EPS)
            scl[...] = g
            sft[...] = beta_ref[...] - mean * g

        o = obuf[pl.ds(i * BLK, BLK), :]
        out_ref[...] = jnp.maximum(o * scl[...] + sft[...], 0.0)


def _tc_fused(agg0, agg1, x, wr0, wr1, wroot, brel, gamma, beta):
    row_spec = lambda w: pl.BlockSpec((BLK, w), lambda p, i: (jnp.where(p == 0, i, 0), 0))
    full_spec = lambda s: pl.BlockSpec(s, lambda p, i: (0, 0))
    return pl.pallas_call(
        _tc_body,
        grid=(2, NBLK),
        in_specs=[
            row_spec(H), row_spec(H), row_spec(D),
            full_spec((H, D)), full_spec((H, D)), full_spec((D, D)),
            full_spec((1, D)), full_spec((1, D)), full_spec((1, D)),
        ],
        out_specs=pl.BlockSpec((BLK, D), lambda p, i: (jnp.where(p == 1, i, 0), 0)),
        out_shape=jax.ShapeDtypeStruct((N, D), jnp.float32),
        scratch_shapes=[
            pltpu.VMEM((N, D), jnp.float32),
            pltpu.VMEM((1, D), jnp.float32),
            pltpu.VMEM((1, D), jnp.float32),
            pltpu.VMEM((1, D), jnp.float32),
            pltpu.VMEM((1, D), jnp.float32),
        ],
    )(agg0, agg1, x, wr0, wr1, wroot, brel, gamma, beta)


def kernel(x, edge_index, W_rel, b_rel, W_root, gamma, beta):
    src = edge_index[0].astype(jnp.int32)
    dst = edge_index[1].astype(jnp.int32)
    pad = E_PAD - E
    src_p = jnp.concatenate([src, jnp.zeros((pad,), jnp.int32)]).reshape(NS, NBATCH, BATCH)
    dst_p = jnp.concatenate([dst, jnp.full((pad,), DUMMY, jnp.int32)]).reshape(NS, NBATCH, BATCH)
    x0 = x[:, :H]
    x1 = x[:, H:]
    agg0, agg1 = _sc_segment_sum(x0, x1, src_p, dst_p)
    agg0 = agg0[:N]
    agg1 = agg1[:N]
    wrT = W_rel.T
    return _tc_fused(agg0, agg1, x, wrT[:H], wrT[H:], W_root.T,
                     b_rel.reshape(1, D), gamma.reshape(1, D), beta.reshape(1, D))

# --- scband reference (transcript-rebuilt; emitter-appended) ---
"""Pipeline reference for scband-graph-conv-bn-30605936951600 (READ-ONLY COPY).

The authoritative reference and input builder live on the scoring server;
editing this copy changes nothing except your own understanding.
"""

import jax, jax.numpy as jnp
import numpy as np

N = 10000
E = 160000
D_IN = 256
D_OUT = 256
EPS = 1e-5


def setup_inputs(seed: int = 0) -> dict:
    key = jax.random.key(seed)
    k1, k2, k3, k4, k5, k6 = jax.random.split(key, 6)
    x = jax.random.normal(k1, (N, D_IN), dtype=jnp.float32)
    edge_index = jax.random.randint(k2, (2, E), 0, N, dtype=jnp.int64)
    # PyG GraphConv params: lin_rel (weight+bias) applied to aggregated neighbors,
    # lin_root (weight only, bias=False) applied to the root node features.
    scale = 1.0 / np.sqrt(D_IN)
    W_rel = jax.random.uniform(k3, (D_OUT, D_IN), dtype=jnp.float32, minval=-scale, maxval=scale)
    b_rel = jax.random.uniform(k4, (D_OUT,), dtype=jnp.float32, minval=-scale, maxval=scale)
    W_root = jax.random.uniform(k5, (D_OUT, D_IN), dtype=jnp.float32, minval=-scale, maxval=scale)
    gamma = jnp.ones((D_OUT,), dtype=jnp.float32)
    beta = jnp.zeros((D_OUT,), dtype=jnp.float32)
    return {"x": x, "edge_index": edge_index, "W_rel": W_rel, "b_rel": b_rel,
            "W_root": W_root, "gamma": gamma, "beta": beta}


def reference(x, edge_index, W_rel, b_rel, W_root, gamma, beta):
    src = edge_index[0]
    dst = edge_index[1]
    # GraphConv with aggr='add': out_i = lin_rel(sum_{j in N(i)} x_j) + lin_root(x_i)
    msgs = jnp.take(x, src, axis=0)                      # gather [E, D_IN]
    agg = jax.ops.segment_sum(msgs, dst, num_segments=N)  # scatter-add [N, D_IN]
    out = agg @ W_rel.T + b_rel + x @ W_root.T
    # NodeLevelBatchNorm: batch norm over the node dimension (training mode -> batch stats)
    mean = jnp.mean(out, axis=0)
    var = jnp.var(out, axis=0)  # biased variance, matching F.batch_norm normalization
    out = (out - mean) / jnp.sqrt(var + EPS) * gamma + beta
    return jax.nn.relu(out)

if __name__ == "__main__":
    import jax
    _d = setup_inputs()
    print(jax.jit(kernel)(*tuple(_d.values())))

</pallas_src>

<mosaic_0001>
#map = affine_map<(d0, d1) -> (0, 0)>
#map1 = affine_map<(d0, d1) -> (0, 0, 0)>
module attributes {stable_mosaic.version = 14 : i64} {
  func.func @_sc_segment_sum(%arg0: i32, %arg1: i32, %arg2: memref<10000x128xf32, #tpu.memory_space<hbm>>, %arg3: memref<10000x128xf32, #tpu.memory_space<hbm>>, %arg4: memref<16x80x128xi32, #tpu.memory_space<hbm>>, %arg5: memref<16x80x128xi32, #tpu.memory_space<hbm>>, %arg6: memref<10240x128xf32, #tpu.memory_space<hbm>>, %arg7: memref<10240x128xf32, #tpu.memory_space<hbm>>, %arg8: memref<80x128xi32, #tpu.memory_space<vmem>>, %arg9: memref<80x128xi32, #tpu.memory_space<vmem>>, %arg10: memref<128x128xf32, #tpu.memory_space<vmem>>, %arg11: memref<10240x128xf32, #tpu.memory_space<vmem_shared>>, %arg12: memref<!tpu.dma_semaphore, #tpu.memory_space<semaphore_mem>>) attributes {dimension_semantics = [#tpu.dimension_semantics<core_parallel>, #tpu.dimension_semantics<subcore_parallel>], iteration_bounds = array<i64: 2, 16>, scalar_prefetch = 0 : i64, scratch_operands = 5 : i64, tpu.core_type = #tpu.core_type<sc_vector_subcore>, window_params = [{transform_indices = #map}, {transform_indices = #map}, {transform_indices = #map1}, {transform_indices = #map1}, {transform_indices = #map}, {transform_indices = #map}]} {
    %scan3A = arith.constant 0 : i32
    %scan3A_0 = arith.constant 0 : i32
    %scan3A_1 = arith.constant 128 : i32
    %scan3A_2 = arith.addi %scan3A_0, %scan3A_1 : i32
    %scan3A_3 = arith.constant 1 : i32
    scf.for %scan3A_41 = %scan3A_0 to %scan3A_2 step %scan3A_3  : i32 {
      %broadcast_in_dim3A = arith.constant 0.000000e+00 : f32
      %broadcast_in_dim3A_42 = vector.broadcast %broadcast_in_dim3A : f32 to vector<16xf32>
      %swap3A = arith.index_cast %scan3A_41 : i32 to index
      %swap3A_43 = arith.constant 0 : index
      %swap3A_44 = tpu.vector_load %arg10[%swap3A, %swap3A_43] {strides = array<i32>} : memref<128x128xf32, #tpu.memory_space<vmem>>, vector<1x16xf32>,
      %swap3A_45 = vector.shape_cast %swap3A_44 : vector<1x16xf32> to vector<16xf32>
      %swap3A_46 = vector.shape_cast %broadcast_in_dim3A_42 : vector<16xf32> to vector<1x16xf32>
      tpu.vector_store %arg10[%swap3A, %swap3A_43], %swap3A_46 {strides = array<i32>} : memref<128x128xf32, #tpu.memory_space<vmem>>, vector<1x16xf32>,
      %broadcast_in_dim3A_47 = arith.constant 0.000000e+00 : f32
      %broadcast_in_dim3A_48 = vector.broadcast %broadcast_in_dim3A_47 : f32 to vector<16xf32>
      %swap3A_49 = arith.index_cast %scan3A_41 : i32 to index
      %swap3A_50 = arith.constant 16 : index
      %swap3A_51 = tpu.vector_load %arg10[%swap3A_49, %swap3A_50] {strides = array<i32>} : memref<128x128xf32, #tpu.memory_space<vmem>>, vector<1x16xf32>,
      %swap3A_52 = vector.shape_cast %swap3A_51 : vector<1x16xf32> to vector<16xf32>
      %swap3A_53 = vector.shape_cast %broadcast_in_dim3A_48 : vector<16xf32> to vector<1x16xf32>
      tpu.vector_store %arg10[%swap3A_49, %swap3A_50], %swap3A_53 {strides = array<i32>} : memref<128x128xf32, #tpu.memory_space<vmem>>, vector<1x16xf32>,
      %broadcast_in_dim3A_54 = arith.constant 0.000000e+00 : f32
      %broadcast_in_dim3A_55 = vector.broadcast %broadcast_in_dim3A_54 : f32 to vector<16xf32>
      %swap3A_56 = arith.index_cast %scan3A_41 : i32 to index
      %swap3A_57 = arith.constant 32 : index
      %swap3A_58 = tpu.vector_load %arg10[%swap3A_56, %swap3A_57] {strides = array<i32>} : memref<128x128xf32, #tpu.memory_space<vmem>>, vector<1x16xf32>,
      %swap3A_59 = vector.shape_cast %swap3A_58 : vector<1x16xf32> to vector<16xf32>
      %swap3A_60 = vector.shape_cast %broadcast_in_dim3A_55 : vector<16xf32> to vector<1x16xf32>
      tpu.vector_store %arg10[%swap3A_56, %swap3A_57], %swap3A_60 {strides = array<i32>} : memref<128x128xf32, #tpu.memory_space<vmem>>, vector<1x16xf32>,
      %broadcast_in_dim3A_61 = arith.constant 0.000000e+00 : f32
      %broadcast_in_dim3A_62 = vector.broadcast %broadcast_in_dim3A_61 : f32 to vector<16xf32>
      %swap3A_63 = arith.index_cast %scan3A_41 : i32 to index
      %swap3A_64 = arith.constant 48 : index
      %swap3A_65 = tpu.vector_load %arg10[%swap3A_63, %swap3A_64] {strides = array<i32>} : memref<128x128xf32, #tpu.memory_space<vmem>>, vector<1x16xf32>,
      %swap3A_66 = vector.shape_cast %swap3A_65 : vector<1x16xf32> to vector<16xf32>
      %swap3A_67 = vector.shape_cast %broadcast_in_dim3A_62 : vector<16xf32> to vector<1x16xf32>
      tpu.vector_store %arg10[%swap3A_63, %swap3A_64], %swap3A_67 {strides = array<i32>} : memref<128x128xf32, #tpu.memory_space<vmem>>, vector<1x16xf32>,
      %broadcast_in_dim3A_68 = arith.constant 0.000000e+00 : f32
      %broadcast_in_dim3A_69 = vector.broadcast %broadcast_in_dim3A_68 : f32 to vector<16xf32>
      %swap3A_70 = arith.index_cast %scan3A_41 : i32 to index
      %swap3A_71 = arith.constant 64 : index
      %swap3A_72 = tpu.vector_load %arg10[%swap3A_70, %swap3A_71] {strides = array<i32>} : memref<128x128xf32, #tpu.memory_space<vmem>>, vector<1x16xf32>,
      %swap3A_73 = vector.shape_cast %swap3A_72 : vector<1x16xf32> to vector<16xf32>
      %swap3A_74 = vector.shape_cast %broadcast_in_dim3A_69 : vector<16xf32> to vector<1x16xf32>
      tpu.vector_store %arg10[%swap3A_70, %swap3A_71], %swap3A_74 {strides = array<i32>} : memref<128x128xf32, #tpu.memory_space<vmem>>, vector<1x16xf32>,
      %broadcast_in_dim3A_75 = arith.constant 0.000000e+00 : f32
      %broadcast_in_dim3A_76 = vector.broadcast %broadcast_in_dim3A_75 : f32 to vector<16xf32>
      %swap3A_77 = arith.index_cast %scan3A_41 : i32 to index
      %swap3A_78 = arith.constant 80 : index
      %swap3A_79 = tpu.vector_load %arg10[%swap3A_77, %swap3A_78] {strides = array<i32>} : memref<128x128xf32, #tpu.memory_space<vmem>>, vector<1x16xf32>,
      %swap3A_80 = vector.shape_cast %swap3A_79 : vector<1x16xf32> to vector<16xf32>
      %swap3A_81 = vector.shape_cast %broadcast_in_dim3A_76 : vector<16xf32> to vector<1x16xf32>
      tpu.vector_store %arg10[%swap3A_77, %swap3A_78], %swap3A_81 {strides = array<i32>} : memref<128x128xf32, #tpu.memory_space<vmem>>, vector<1x16xf32>,
      %broadcast_in_dim3A_82 = arith.constant 0.000000e+00 : f32
      %broadcast_in_dim3A_83 = vector.broadcast %broadcast_in_dim3A_82 : f32 to vector<16xf32>
      %swap3A_84 = arith.index_cast %scan3A_41 : i32 to index
      %swap3A_85 = arith.constant 96 : index
      %swap3A_86 = tpu.vector_load %arg10[%swap3A_84, %swap3A_85] {strides = array<i32>} : memref<128x128xf32, #tpu.memory_space<vmem>>, vector<1x16xf32>,
      %swap3A_87 = vector.shape_cast %swap3A_86 : vector<1x16xf32> to vector<16xf32>
      %swap3A_88 = vector.shape_cast %broadcast_in_dim3A_83 : vector<16xf32> to vector<1x16xf32>
      tpu.vector_store %arg10[%swap3A_84, %swap3A_85], %swap3A_88 {strides = array<i32>} : memref<128x128xf32, #tpu.memory_space<vmem>>, vector<1x16xf32>,
      %broadcast_in_dim3A_89 = arith.constant 0.000000e+00 : f32
      %broadcast_in_dim3A_90 = vector.broadcast %broadcast_in_dim3A_89 : f32 to vector<16xf32>
      %swap3A_91 = arith.index_cast %scan3A_41 : i32 to index
      %swap3A_92 = arith.constant 112 : index
      %swap3A_93 = tpu.vector_load %arg10[%swap3A_91, %swap3A_92] {strides = array<i32>} : memref<128x128xf32, #tpu.memory_space<vmem>>, vector<1x16xf32>,
      %swap3A_94 = vector.shape_cast %swap3A_93 : vector<1x16xf32> to vector<16xf32>
      %swap3A_95 = vector.shape_cast %broadcast_in_dim3A_90 : vector<16xf32> to vector<1x16xf32>
      tpu.vector_store %arg10[%swap3A_91, %swap3A_92], %swap3A_95 {strides = array<i32>} : memref<128x128xf32, #tpu.memory_space<vmem>>, vector<1x16xf32>,
    }
    %scan3A_4 = arith.constant 128 : i32
    %mul3A = arith.constant 640 : i32
    %mul3A_5 = arith.muli %arg1, %mul3A : i32
    %add3A = arith.constant 0 : i32
    %add3A_6 = arith.addi %mul3A_5, %add3A : i32
    "tpu.region"() ({
      %run_scoped3A = tpu.sem_alloc : memref<!tpu.dma_semaphore, #tpu.memory_space<semaphore_mem>>
      %dma_start3A = arith.constant 0 : i32
      %dma_start3A_41 = tpu.memref_slice %arg11[%add3A_6, %dma_start3A] : memref<10240x128xf32, #tpu.memory_space<vmem_shared>> -> memref<128x128xf32, #tpu.memory_space<vmem_shared>>
      %dma_start3A_42 = arith.constant 0 : i32
      %dma_start3A_43 = tpu.memref_slice %arg11[%add3A_6, %dma_start3A_42] : memref<10240x128xf32, #tpu.memory_space<vmem_shared>> -> memref<128x128xf32, #tpu.memory_space<vmem_shared>>
      tpu.enqueue_dma source(%arg10 : memref<128x128xf32, #tpu.memory_space<vmem>>) target(%dma_start3A_43 : memref<128x128xf32, #tpu.memory_space<vmem_shared>>) target_semaphore(%run_scoped3A : memref<!tpu.dma_semaphore, #tpu.memory_space<semaphore_mem>>)
      %dma_wait3A = arith.constant 0 : i32
      %dma_wait3A_44 = tpu.memref_slice %arg11[%add3A_6, %dma_wait3A] : memref<10240x128xf32, #tpu.memory_space<vmem_shared>> -> memref<128x128xf32, #tpu.memory_space<vmem_shared>>
      %dma_wait3A_45 = arith.constant 0 : i32
      %dma_wait3A_46 = tpu.memref_slice %arg11[%add3A_6, %dma_wait3A_45] : memref<10240x128xf32, #tpu.memory_space<vmem_shared>> -> memref<128x128xf32, #tpu.memory_space<vmem_shared>>
      tpu.wait_dma2 semaphore(%run_scoped3A : memref<!tpu.dma_semaphore, #tpu.memory_space<semaphore_mem>>) src(%arg10 : memref<128x128xf32, #tpu.memory_space<vmem>>) dst(%dma_wait3A_46 : memref<128x128xf32, #tpu.memory_space<vmem_shared>>)
      tpu.yield
    }) : () -> ()
    %mul3A_7 = arith.constant 640 : i32
    %mul3A_8 = arith.muli %arg1, %mul3A_7 : i32
    %add3A_9 = arith.constant 128 : i32
    %add3A_10 = arith.addi %mul3A_8, %add3A_9 : i32
    "tpu.region"() ({
      %run_scoped3A = tpu.sem_alloc : memref<!tpu.dma_semaphore, #tpu.memory_space<semaphore_mem>>
      %dma_start3A = arith.constant 0 : i32
      %dma_start3A_41 = tpu.memref_slice %arg11[%add3A_10, %dma_start3A] : memref<10240x128xf32, #tpu.memory_space<vmem_shared>> -> memref<128x128xf32, #tpu.memory_space<vmem_shared>>
      %dma_start3A_42 = arith.constant 0 : i32
      %dma_start3A_43 = tpu.memref_slice %arg11[%add3A_10, %dma_start3A_42] : memref<10240x128xf32, #tpu.memory_space<vmem_shared>> -> memref<128x128xf32, #tpu.memory_space<vmem_shared>>
      tpu.enqueue_dma source(%arg10 : memref<128x128xf32, #tpu.memory_space<vmem>>) target(%dma_start3A_43 : memref<128x128xf32, #tpu.memory_space<vmem_shared>>) target_semaphore(%run_scoped3A : memref<!tpu.dma_semaphore, #tpu.memory_space<semaphore_mem>>)
      %dma_wait3A = arith.constant 0 : i32
      %dma_wait3A_44 = tpu.memref_slice %arg11[%add3A_10, %dma_wait3A] : memref<10240x128xf32, #tpu.memory_space<vmem_shared>> -> memref<128x128xf32, #tpu.memory_space<vmem_shared>>
      %dma_wait3A_45 = arith.constant 0 : i32
      %dma_wait3A_46 = tpu.memref_slice %arg11[%add3A_10, %dma_wait3A_45] : memref<10240x128xf32, #tpu.memory_space<vmem_shared>> -> memref<128x128xf32, #tpu.memory_space<vmem_shared>>
      tpu.wait_dma2 semaphore(%run_scoped3A : memref<!tpu.dma_semaphore, #tpu.memory_space<semaphore_mem>>) src(%arg10 : memref<128x128xf32, #tpu.memory_space<vmem>>) dst(%dma_wait3A_46 : memref<128x128xf32, #tpu.memory_space<vmem_shared>>)
      tpu.yield
    }) : () -> ()
    %mul3A_11 = arith.constant 640 : i32
    %mul3A_12 = arith.muli %arg1, %mul3A_11 : i32
    %add3A_13 = arith.constant 256 : i32
    %add3A_14 = arith.addi %mul3A_12, %add3A_13 : i32
    "tpu.region"() ({
      %run_scoped3A = tpu.sem_alloc : memref<!tpu.dma_semaphore, #tpu.memory_space<semaphore_mem>>
      %dma_start3A = arith.constant 0 : i32
      %dma_start3A_41 = tpu.memref_slice %arg11[%add3A_14, %dma_start3A] : memref<10240x128xf32, #tpu.memory_space<vmem_shared>> -> memref<128x128xf32, #tpu.memory_space<vmem_shared>>
      %dma_start3A_42 = arith.constant 0 : i32
      %dma_start3A_43 = tpu.memref_slice %arg11[%add3A_14, %dma_start3A_42] : memref<10240x128xf32, #tpu.memory_space<vmem_shared>> -> memref<128x128xf32, #tpu.memory_space<vmem_shared>>
      tpu.enqueue_dma source(%arg10 : memref<128x128xf32, #tpu.memory_space<vmem>>) target(%dma_start3A_43 : memref<128x128xf32, #tpu.memory_space<vmem_shared>>) target_semaphore(%run_scoped3A : memref<!tpu.dma_semaphore, #tpu.memory_space<semaphore_mem>>)
      %dma_wait3A = arith.constant 0 : i32
      %dma_wait3A_44 = tpu.memref_slice %arg11[%add3A_14, %dma_wait3A] : memref<10240x128xf32, #tpu.memory_space<vmem_shared>> -> memref<128x128xf32, #tpu.memory_space<vmem_shared>>
      %dma_wait3A_45 = arith.constant 0 : i32
      %dma_wait3A_46 = tpu.memref_slice %arg11[%add3A_14, %dma_wait3A_45] : memref<10240x128xf32, #tpu.memory_space<vmem_shared>> -> memref<128x128xf32, #tpu.memory_space<vmem_shared>>
      tpu.wait_dma2 semaphore(%run_scoped3A : memref<!tpu.dma_semaphore, #tpu.memory_space<semaphore_mem>>) src(%arg10 : memref<128x128xf32, #tpu.memory_space<vmem>>) dst(%dma_wait3A_46 : memref<128x128xf32, #tpu.memory_space<vmem_shared>>)
      tpu.yield
    }) : () -> ()
    %mul3A_15 = arith.constant 640 : i32
    %mul3A_16 = arith.muli %arg1, %mul3A_15 : i32
    %add3A_17 = arith.constant 384 : i32
    %add3A_18 = arith.addi %mul3A_16, %add3A_17 : i32
    "tpu.region"() ({
      %run_scoped3A = tpu.sem_alloc : memref<!tpu.dma_semaphore, #tpu.memory_space<semaphore_mem>>
      %dma_start3A = arith.constant 0 : i32
      %dma_start3A_41 = tpu.memref_slice %arg11[%add3A_18, %dma_start3A] : memref<10240x128xf32, #tpu.memory_space<vmem_shared>> -> memref<128x128xf32, #tpu.memory_space<vmem_shared>>
      %dma_start3A_42 = arith.constant 0 : i32
      %dma_start3A_43 = tpu.memref_slice %arg11[%add3A_18, %dma_start3A_42] : memref<10240x128xf32, #tpu.memory_space<vmem_shared>> -> memref<128x128xf32, #tpu.memory_space<vmem_shared>>
      tpu.enqueue_dma source(%arg10 : memref<128x128xf32, #tpu.memory_space<vmem>>) target(%dma_start3A_43 : memref<128x128xf32, #tpu.memory_space<vmem_shared>>) target_semaphore(%run_scoped3A : memref<!tpu.dma_semaphore, #tpu.memory_space<semaphore_mem>>)
      %dma_wait3A = arith.constant 0 : i32
      %dma_wait3A_44 = tpu.memref_slice %arg11[%add3A_18, %dma_wait3A] : memref<10240x128xf32, #tpu.memory_space<vmem_shared>> -> memref<128x128xf32, #tpu.memory_space<vmem_shared>>
      %dma_wait3A_45 = arith.constant 0 : i32
      %dma_wait3A_46 = tpu.memref_slice %arg11[%add3A_18, %dma_wait3A_45] : memref<10240x128xf32, #tpu.memory_space<vmem_shared>> -> memref<128x128xf32, #tpu.memory_space<vmem_shared>>
      tpu.wait_dma2 semaphore(%run_scoped3A : memref<!tpu.dma_semaphore, #tpu.memory_space<semaphore_mem>>) src(%arg10 : memref<128x128xf32, #tpu.memory_space<vmem>>) dst(%dma_wait3A_46 : memref<128x128xf32, #tpu.memory_space<vmem_shared>>)
      tpu.yield
    }) : () -> ()
    %mul3A_19 = arith.constant 640 : i32
    %mul3A_20 = arith.muli %arg1, %mul3A_19 : i32
    %add3A_21 = arith.constant 512 : i32
    %add3A_22 = arith.addi %mul3A_20, %add3A_21 : i32
    "tpu.region"() ({
      %run_scoped3A = tpu.sem_alloc : memref<!tpu.dma_semaphore, #tpu.memory_space<semaphore_mem>>
      %dma_start3A = arith.constant 0 : i32
      %dma_start3A_41 = tpu.memref_slice %arg11[%add3A_22, %dma_start3A] : memref<10240x128xf32, #tpu.memory_space<vmem_shared>> -> memref<128x128xf32, #tpu.memory_space<vmem_shared>>
      %dma_start3A_42 = arith.constant 0 : i32
      %dma_start3A_43 = tpu.memref_slice %arg11[%add3A_22, %dma_start3A_42] : memref<10240x128xf32, #tpu.memory_space<vmem_shared>> -> memref<128x128xf32, #tpu.memory_space<vmem_shared>>
      tpu.enqueue_dma source(%arg10 : memref<128x128xf32, #tpu.memory_space<vmem>>) target(%dma_start3A_43 : memref<128x128xf32, #tpu.memory_space<vmem_shared>>) target_semaphore(%run_scoped3A : memref<!tpu.dma_semaphore, #tpu.memory_space<semaphore_mem>>)
      %dma_wait3A = arith.constant 0 : i32
      %dma_wait3A_44 = tpu.memref_slice %arg11[%add3A_22, %dma_wait3A] : memref<10240x128xf32, #tpu.memory_space<vmem_shared>> -> memref<128x128xf32, #tpu.memory_space<vmem_shared>>
      %dma_wait3A_45 = arith.constant 0 : i32
      %dma_wait3A_46 = tpu.memref_slice %arg11[%add3A_22, %dma_wait3A_45] : memref<10240x128xf32, #tpu.memory_space<vmem_shared>> -> memref<128x128xf32, #tpu.memory_space<vmem_shared>>
      tpu.wait_dma2 semaphore(%run_scoped3A : memref<!tpu.dma_semaphore, #tpu.memory_space<semaphore_mem>>) src(%arg10 : memref<128x128xf32, #tpu.memory_space<vmem>>) dst(%dma_wait3A_46 : memref<128x128xf32, #tpu.memory_space<vmem_shared>>)
      tpu.yield
    }) : () -> ()
    "tpu.region"() ({
      %run_scoped3A = tpu.sem_alloc : memref<!tpu.dma_semaphore, #tpu.memory_space<semaphore_mem>>
      %dma_start3A = arith.constant 0 : i32
      %dma_start3A_41 = arith.constant 0 : i32
      %dma_start3A_42 = tpu.memref_slice %arg4[%arg1, %dma_start3A, %dma_start3A_41] : memref<16x80x128xi32, #tpu.memory_space<hbm>> -> memref<1x80x128xi32, #tpu.memory_space<hbm>>
      %dma_start3A_43 = tpu.memref_squeeze %dma_start3A_42 : memref<1x80x128xi32, #tpu.memory_space<hbm>> -> memref<80x128xi32, #tpu.memory_space<hbm>>
      %dma_start3A_44 = arith.constant 0 : i32
      %dma_start3A_45 = arith.constant 0 : i32
      %dma_start3A_46 = tpu.memref_slice %arg4[%arg1, %dma_start3A_44, %dma_start3A_45] : memref<16x80x128xi32, #tpu.memory_space<hbm>> -> memref<1x80x128xi32, #tpu.memory_space<hbm>>
      %dma_start3A_47 = tpu.memref_squeeze %dma_start3A_46 : memref<1x80x128xi32, #tpu.memory_space<hbm>> -> memref<80x128xi32, #tpu.memory_space<hbm>>
      tpu.enqueue_dma source(%dma_start3A_47 : memref<80x128xi32, #tpu.memory_space<hbm>>) target(%arg8 : memref<80x128xi32, #tpu.memory_space<vmem>>) target_semaphore(%run_scoped3A : memref<!tpu.dma_semaphore, #tpu.memory_space<semaphore_mem>>)
      %dma_wait3A = arith.constant 0 : i32
      %dma_wait3A_48 = arith.constant 0 : i32
      %dma_wait3A_49 = tpu.memref_slice %arg4[%arg1, %dma_wait3A, %dma_wait3A_48] : memref<16x80x128xi32, #tpu.memory_space<hbm>> -> memref<1x80x128xi32, #tpu.memory_space<hbm>>
      %dma_wait3A_50 = tpu.memref_squeeze %dma_wait3A_49 : memref<1x80x128xi32, #tpu.memory_space<hbm>> -> memref<80x128xi32, #tpu.memory_space<hbm>>
      %dma_wait3A_51 = arith.constant 0 : i32
      %dma_wait3A_52 = arith.constant 0 : i32
      %dma_wait3A_53 = tpu.memref_slice %arg4[%arg1, %dma_wait3A_51, %dma_wait3A_52] : memref<16x80x128xi32, #tpu.memory_space<hbm>> -> memref<1x80x128xi32, #tpu.memory_space<hbm>>
      %dma_wait3A_54 = tpu.memref_squeeze %dma_wait3A_53 : memref<1x80x128xi32, #tpu.memory_space<hbm>> -> memref<80x128xi32, #tpu.memory_space<hbm>>
      tpu.wait_dma2 semaphore(%run_scoped3A : memref<!tpu.dma_semaphore, #tpu.memory_space<semaphore_mem>>) src(%dma_wait3A_54 : memref<80x128xi32, #tpu.memory_space<hbm>>) dst(%arg8 : memref<80x128xi32, #tpu.memory_space<vmem>>)
      tpu.yield
    }) : () -> ()
    "tpu.region"() ({
      %run_scoped3A = tpu.sem_alloc : memref<!tpu.dma_semaphore, #tpu.memory_space<semaphore_mem>>
      %dma_start3A = arith.constant 0 : i32
      %dma_start3A_41 = arith.constant 0 : i32
      %dma_start3A_42 = tpu.memref_slice %arg5[%arg1, %dma_start3A, %dma_start3A_41] : memref<16x80x128xi32, #tpu.memory_space<hbm>> -> memref<1x80x128xi32, #tpu.memory_space<hbm>>
      %dma_start3A_43 = tpu.memref_squeeze %dma_start3A_42 : memref<1x80x128xi32, #tpu.memory_space<hbm>> -> memref<80x128xi32, #tpu.memory_space<hbm>>
      %dma_start3A_44 = arith.constant 0 : i32
      %dma_start3A_45 = arith.constant 0 : i32
      %dma_start3A_46 = tpu.memref_slice %arg5[%arg1, %dma_start3A_44, %dma_start3A_45] : memref<16x80x128xi32, #tpu.memory_space<hbm>> -> memref<1x80x128xi32, #tpu.memory_space<hbm>>
      %dma_start3A_47 = tpu.memref_squeeze %dma_start3A_46 : memref<1x80x128xi32, #tpu.memory_space<hbm>> -> memref<80x128xi32, #tpu.memory_space<hbm>>
      tpu.enqueue_dma source(%dma_start3A_47 : memref<80x128xi32, #tpu.memory_space<hbm>>) target(%arg9 : memref<80x128xi32, #tpu.memory_space<vmem>>) target_semaphore(%run_scoped3A : memref<!tpu.dma_semaphore, #tpu.memory_space<semaphore_mem>>)
      %dma_wait3A = arith.constant 0 : i32
      %dma_wait3A_48 = arith.constant 0 : i32
      %dma_wait3A_49 = tpu.memref_slice %arg5[%arg1, %dma_wait3A, %dma_wait3A_48] : memref<16x80x128xi32, #tpu.memory_space<hbm>> -> memref<1x80x128xi32, #tpu.memory_space<hbm>>
      %dma_wait3A_50 = tpu.memref_squeeze %dma_wait3A_49 : memref<1x80x128xi32, #tpu.memory_space<hbm>> -> memref<80x128xi32, #tpu.memory_space<hbm>>
      %dma_wait3A_51 = arith.constant 0 : i32
      %dma_wait3A_52 = arith.constant 0 : i32
      %dma_wait3A_53 = tpu.memref_slice %arg5[%arg1, %dma_wait3A_51, %dma_wait3A_52] : memref<16x80x128xi32, #tpu.memory_space<hbm>> -> memref<1x80x128xi32, #tpu.memory_space<hbm>>
      %dma_wait3A_54 = tpu.memref_squeeze %dma_wait3A_53 : memref<1x80x128xi32, #tpu.memory_space<hbm>> -> memref<80x128xi32, #tpu.memory_space<hbm>>
      tpu.wait_dma2 semaphore(%run_scoped3A : memref<!tpu.dma_semaphore, #tpu.memory_space<semaphore_mem>>) src(%dma_wait3A_54 : memref<80x128xi32, #tpu.memory_space<hbm>>) dst(%arg9 : memref<80x128xi32, #tpu.memory_space<vmem>>)
      tpu.yield
    }) : () -> ()
    %barrier3A = arith.constant 0 : index
    tpu.barrier barrier_id(%barrier3A)
    %eq3A = arith.constant 0 : i32
    %eq3A_23 = arith.cmpi eq, %arg0, %eq3A : i32
    %convert_element_type3A = arith.extui %eq3A_23 : i1 to i32
    %cond3A = arith.constant 0 : i32
    %cond3A_24 = arith.cmpi ne, %convert_element_type3A, %cond3A : i32
    scf.if %cond3A_24 {
      %scan3A_41 = arith.constant 0 : i32
      %scan3A_42 = arith.constant 0 : i32
      %scan3A_43 = arith.constant 80 : i32
      %scan3A_44 = arith.addi %scan3A_42, %scan3A_43 : i32
      %scan3A_45 = arith.constant 1 : i32
      scf.for %scan3A_47 = %scan3A_42 to %scan3A_44 step %scan3A_45  : i32 {
        %dma_start3A = arith.constant 0 : i32
        %dma_start3A_48 = tpu.memref_slice %arg8[%scan3A_47, %dma_start3A] : memref<80x128xi32, #tpu.memory_space<vmem>> -> memref<1x128xi32, #tpu.memory_space<vmem>>
        %dma_start3A_49 = tpu.memref_squeeze %dma_start3A_48 : memref<1x128xi32, #tpu.memory_space<vmem>> -> memref<128xi32, #tpu.memory_space<vmem>>
        %dma_start3A_50 = arith.constant 0 : i32
        %dma_start3A_51 = arith.constant 0 : i32
        %dma_start3A_52 = tpu.memref_slice %arg2[%dma_start3A_50, %dma_start3A_51] : memref<10000x128xf32, #tpu.memory_space<hbm>> -> memref<10000x128xf32, #tpu.memory_space<hbm>>
        tpu.enqueue_indirect_dma source(%dma_start3A_52 : memref<10000x128xf32, #tpu.memory_space<hbm>>) target(%arg10 : memref<128x128xf32, #tpu.memory_space<vmem>>) offsets(%dma_start3A_49 : memref<128xi32, #tpu.memory_space<vmem>>) semaphore(%arg12 : memref<!tpu.dma_semaphore, #tpu.memory_space<semaphore_mem>>)
        %dma_wait3A = arith.constant 0 : i32
        %dma_wait3A_53 = tpu.memref_slice %arg8[%scan3A_47, %dma_wait3A] : memref<80x128xi32, #tpu.memory_space<vmem>> -> memref<1x128xi32, #tpu.memory_space<vmem>>
        %dma_wait3A_54 = tpu.memref_squeeze %dma_wait3A_53 : memref<1x128xi32, #tpu.memory_space<vmem>> -> memref<128xi32, #tpu.memory_space<vmem>>
        %dma_wait3A_55 = arith.constant 0 : i32
        %dma_wait3A_56 = arith.constant 0 : i32
        %dma_wait3A_57 = tpu.memref_slice %arg2[%dma_wait3A_55, %dma_wait3A_56] : memref<10000x128xf32, #tpu.memory_space<hbm>> -> memref<10000x128xf32, #tpu.memory_space<hbm>>
        tpu.wait_indirect_dma semaphore(%arg12 : memref<!tpu.dma_semaphore, #tpu.memory_space<semaphore_mem>>) src(%dma_wait3A_57 : memref<10000x128xf32, #tpu.memory_space<hbm>>) dst(%arg10 : memref<128x128xf32, #tpu.memory_space<vmem>>)
        "tpu.region"() ({
          %run_scoped3A = tpu.sem_alloc : memref<!tpu.dma_semaphore, #tpu.memory_space<semaphore_mem>>
          %dma_start3A_58 = arith.constant 0 : i32
          %dma_start3A_59 = tpu.memref_slice %arg9[%scan3A_47, %dma_start3A_58] : memref<80x128xi32, #tpu.memory_space<vmem>> -> memref<1x128xi32, #tpu.memory_space<vmem>>
          %dma_start3A_60 = tpu.memref_squeeze %dma_start3A_59 : memref<1x128xi32, #tpu.memory_space<vmem>> -> memref<128xi32, #tpu.memory_space<vmem>>
          %dma_start3A_61 = arith.constant 0 : i32
          %dma_start3A_62 = arith.constant 0 : i32
          %dma_start3A_63 = tpu.memref_slice %arg11[%dma_start3A_61, %dma_start3A_62] : memref<10240x128xf32, #tpu.memory_space<vmem_shared>> -> memref<10240x128xf32, #tpu.memory_space<vmem_shared>>
          tpu.enqueue_indirect_dma source(%arg10 : memref<128x128xf32, #tpu.memory_space<vmem>>) target(%dma_start3A_63 : memref<10240x128xf32, #tpu.memory_space<vmem_shared>>) offsets(%dma_start3A_60 : memref<128xi32, #tpu.memory_space<vmem>>) semaphore(%run_scoped3A : memref<!tpu.dma_semaphore, #tpu.memory_space<semaphore_mem>>) {add = true}
          %dma_wait3A_64 = arith.constant 0 : i32
          %dma_wait3A_65 = tpu.memref_slice %arg9[%scan3A_47, %dma_wait3A_64] : memref<80x128xi32, #tpu.memory_space<vmem>> -> memref<1x128xi32, #tpu.memory_space<vmem>>
          %dma_wait3A_66 = tpu.memref_squeeze %dma_wait3A_65 : memref<1x128xi32, #tpu.memory_space<vmem>> -> memref<128xi32, #tpu.memory_space<vmem>>
          %dma_wait3A_67 = arith.constant 0 : i32
          %dma_wait3A_68 = arith.constant 0 : i32
          %dma_wait3A_69 = tpu.memref_slice %arg11[%dma_wait3A_67, %dma_wait3A_68] : memref<10240x128xf32, #tpu.memory_space<vmem_shared>> -> memref<10240x128xf32, #tpu.memory_space<vmem_shared>>
          tpu.wait_indirect_dma semaphore(%run_scoped3A : memref<!tpu.dma_semaphore, #tpu.memory_space<semaphore_mem>>) src(%arg10 : memref<128x128xf32, #tpu.memory_space<vmem>>) dst(%dma_wait3A_69 : memref<10240x128xf32, #tpu.memory_space<vmem_shared>>)
          tpu.yield
        }) : () -> ()
      }
      %scan3A_46 = arith.constant 80 : i32
    } else {
    }
    %eq3A_25 = arith.constant 1 : i32
    %eq3A_26 = arith.cmpi eq, %arg0, %eq3A_25 : i32
    %convert_element_type3A_27 = arith.extui %eq3A_26 : i1 to i32
    %cond3A_28 = arith.constant 0 : i32
    %cond3A_29 = arith.cmpi ne, %convert_element_type3A_27, %cond3A_28 : i32
    scf.if %cond3A_29 {
      %scan3A_41 = arith.constant 0 : i32
      %scan3A_42 = arith.constant 0 : i32
      %scan3A_43 = arith.constant 80 : i32
      %scan3A_44 = arith.addi %scan3A_42, %scan3A_43 : i32
      %scan3A_45 = arith.constant 1 : i32
      scf.for %scan3A_47 = %scan3A_42 to %scan3A_44 step %scan3A_45  : i32 {
        %dma_start3A = arith.constant 0 : i32
        %dma_start3A_48 = tpu.memref_slice %arg8[%scan3A_47, %dma_start3A] : memref<80x128xi32, #tpu.memory_space<vmem>> -> memref<1x128xi32, #tpu.memory_space<vmem>>
        %dma_start3A_49 = tpu.memref_squeeze %dma_start3A_48 : memref<1x128xi32, #tpu.memory_space<vmem>> -> memref<128xi32, #tpu.memory_space<vmem>>
        %dma_start3A_50 = arith.constant 0 : i32
        %dma_start3A_51 = arith.constant 0 : i32
        %dma_start3A_52 = tpu.memref_slice %arg3[%dma_start3A_50, %dma_start3A_51] : memref<10000x128xf32, #tpu.memory_space<hbm>> -> memref<10000x128xf32, #tpu.memory_space<hbm>>
        tpu.enqueue_indirect_dma source(%dma_start3A_52 : memref<10000x128xf32, #tpu.memory_space<hbm>>) target(%arg10 : memref<128x128xf32, #tpu.memory_space<vmem>>) offsets(%dma_start3A_49 : memref<128xi32, #tpu.memory_space<vmem>>) semaphore(%arg12 : memref<!tpu.dma_semaphore, #tpu.memory_space<semaphore_mem>>)
        %dma_wait3A = arith.constant 0 : i32
        %dma_wait3A_53 = tpu.memref_slice %arg8[%scan3A_47, %dma_wait3A] : memref<80x128xi32, #tpu.memory_space<vmem>> -> memref<1x128xi32, #tpu.memory_space<vmem>>
        %dma_wait3A_54 = tpu.memref_squeeze %dma_wait3A_53 : memref<1x128xi32, #tpu.memory_space<vmem>> -> memref<128xi32, #tpu.memory_space<vmem>>
        %dma_wait3A_55 = arith.constant 0 : i32
        %dma_wait3A_56 = arith.constant 0 : i32
        %dma_wait3A_57 = tpu.memref_slice %arg3[%dma_wait3A_55, %dma_wait3A_56] : memref<10000x128xf32, #tpu.memory_space<hbm>> -> memref<10000x128xf32, #tpu.memory_space<hbm>>
        tpu.wait_indirect_dma semaphore(%arg12 : memref<!tpu.dma_semaphore, #tpu.memory_space<semaphore_mem>>) src(%dma_wait3A_57 : memref<10000x128xf32, #tpu.memory_space<hbm>>) dst(%arg10 : memref<128x128xf32, #tpu.memory_space<vmem>>)
        "tpu.region"() ({
          %run_scoped3A = tpu.sem_alloc : memref<!tpu.dma_semaphore, #tpu.memory_space<semaphore_mem>>
          %dma_start3A_58 = arith.constant 0 : i32
          %dma_start3A_59 = tpu.memref_slice %arg9[%scan3A_47, %dma_start3A_58] : memref<80x128xi32, #tpu.memory_space<vmem>> -> memref<1x128xi32, #tpu.memory_space<vmem>>
          %dma_start3A_60 = tpu.memref_squeeze %dma_start3A_59 : memref<1x128xi32, #tpu.memory_space<vmem>> -> memref<128xi32, #tpu.memory_space<vmem>>
          %dma_start3A_61 = arith.constant 0 : i32
          %dma_start3A_62 = arith.constant 0 : i32
          %dma_start3A_63 = tpu.memref_slice %arg11[%dma_start3A_61, %dma_start3A_62] : memref<10240x128xf32, #tpu.memory_space<vmem_shared>> -> memref<10240x128xf32, #tpu.memory_space<vmem_shared>>
          tpu.enqueue_indirect_dma source(%arg10 : memref<128x128xf32, #tpu.memory_space<vmem>>) target(%dma_start3A_63 : memref<10240x128xf32, #tpu.memory_space<vmem_shared>>) offsets(%dma_start3A_60 : memref<128xi32, #tpu.memory_space<vmem>>) semaphore(%run_scoped3A : memref<!tpu.dma_semaphore, #tpu.memory_space<semaphore_mem>>) {add = true}
          %dma_wait3A_64 = arith.constant 0 : i32
          %dma_wait3A_65 = tpu.memref_slice %arg9[%scan3A_47, %dma_wait3A_64] : memref<80x128xi32, #tpu.memory_space<vmem>> -> memref<1x128xi32, #tpu.memory_space<vmem>>
          %dma_wait3A_66 = tpu.memref_squeeze %dma_wait3A_65 : memref<1x128xi32, #tpu.memory_space<vmem>> -> memref<128xi32, #tpu.memory_space<vmem>>
          %dma_wait3A_67 = arith.constant 0 : i32
          %dma_wait3A_68 = arith.constant 0 : i32
          %dma_wait3A_69 = tpu.memref_slice %arg11[%dma_wait3A_67, %dma_wait3A_68] : memref<10240x128xf32, #tpu.memory_space<vmem_shared>> -> memref<10240x128xf32, #tpu.memory_space<vmem_shared>>
          tpu.wait_indirect_dma semaphore(%run_scoped3A : memref<!tpu.dma_semaphore, #tpu.memory_space<semaphore_mem>>) src(%arg10 : memref<128x128xf32, #tpu.memory_space<vmem>>) dst(%dma_wait3A_69 : memref<10240x128xf32, #tpu.memory_space<vmem_shared>>)
          tpu.yield
        }) : () -> ()
      }
      %scan3A_46 = arith.constant 80 : i32
    } else {
    }
    %barrier3A_30 = arith.constant 0 : index
    tpu.barrier barrier_id(%barrier3A_30)
    %eq3A_31 = arith.constant 0 : i32
    %eq3A_32 = arith.cmpi eq, %arg0, %eq3A_31 : i32
    %convert_element_type3A_33 = arith.extui %eq3A_32 : i1 to i32
    %cond3A_34 = arith.constant 0 : i32
    %cond3A_35 = arith.cmpi ne, %convert_element_type3A_33, %cond3A_34 : i32
    scf.if %cond3A_35 {
      %mul3A_41 = arith.constant 640 : i32
      %mul3A_42 = arith.muli %arg1, %mul3A_41 : i32
      %add3A_43 = arith.constant 0 : i32
      %add3A_44 = arith.addi %mul3A_42, %add3A_43 : i32
      "tpu.region"() ({
        %run_scoped3A = tpu.sem_alloc : memref<!tpu.dma_semaphore, #tpu.memory_space<semaphore_mem>>
        %dma_start3A = arith.constant 0 : i32
        %dma_start3A_61 = tpu.memref_slice %arg11[%add3A_44, %dma_start3A] : memref<10240x128xf32, #tpu.memory_space<vmem_shared>> -> memref<128x128xf32, #tpu.memory_space<vmem_shared>>
        %dma_start3A_62 = arith.constant 0 : i32
        %dma_start3A_63 = tpu.memref_slice %arg11[%add3A_44, %dma_start3A_62] : memref<10240x128xf32, #tpu.memory_space<vmem_shared>> -> memref<128x128xf32, #tpu.memory_space<vmem_shared>>
        tpu.enqueue_dma source(%dma_start3A_63 : memref<128x128xf32, #tpu.memory_space<vmem_shared>>) target(%arg10 : memref<128x128xf32, #tpu.memory_space<vmem>>) target_semaphore(%run_scoped3A : memref<!tpu.dma_semaphore, #tpu.memory_space<semaphore_mem>>)
        %dma_wait3A = arith.constant 0 : i32
        %dma_wait3A_64 = tpu.memref_slice %arg11[%add3A_44, %dma_wait3A] : memref<10240x128xf32, #tpu.memory_space<vmem_shared>> -> memref<128x128xf32, #tpu.memory_space<vmem_shared>>
        %dma_wait3A_65 = arith.constant 0 : i32
        %dma_wait3A_66 = tpu.memref_slice %arg11[%add3A_44, %dma_wait3A_65] : memref<10240x128xf32, #tpu.memory_space<vmem_shared>> -> memref<128x128xf32, #tpu.memory_space<vmem_shared>>
        tpu.wait_dma2 semaphore(%run_scoped3A : memref<!tpu.dma_semaphore, #tpu.memory_space<semaphore_mem>>) src(%dma_wait3A_66 : memref<128x128xf32, #tpu.memory_space<vmem_shared>>) dst(%arg10 : memref<128x128xf32, #tpu.memory_space<vmem>>)
        tpu.yield
      }) : () -> ()
      "tpu.region"() ({
        %run_scoped3A = tpu.sem_alloc : memref<!tpu.dma_semaphore, #tpu.memory_space<semaphore_mem>>
        %dma_start3A = arith.constant 0 : i32
        %dma_start3A_61 = tpu.memref_slice %arg6[%add3A_44, %dma_start3A] : memref<10240x128xf32, #tpu.memory_space<hbm>> -> memref<128x128xf32, #tpu.memory_space<hbm>>
        %dma_start3A_62 = arith.constant 0 : i32
        %dma_start3A_63 = tpu.memref_slice %arg6[%add3A_44, %dma_start3A_62] : memref<10240x128xf32, #tpu.memory_space<hbm>> -> memref<128x128xf32, #tpu.memory_space<hbm>>
        tpu.enqueue_dma source(%arg10 : memref<128x128xf32, #tpu.memory_space<vmem>>) target(%dma_start3A_63 : memref<128x128xf32, #tpu.memory_space<hbm>>) target_semaphore(%run_scoped3A : memref<!tpu.dma_semaphore, #tpu.memory_space<semaphore_mem>>)
        %dma_wait3A = arith.constant 0 : i32
        %dma_wait3A_64 = tpu.memref_slice %arg6[%add3A_44, %dma_wait3A] : memref<10240x128xf32, #tpu.memory_space<hbm>> -> memref<128x128xf32, #tpu.memory_space<hbm>>
        %dma_wait3A_65 = arith.constant 0 : i32
        %dma_wait3A_66 = tpu.memref_slice %arg6[%add3A_44, %dma_wait3A_65] : memref<10240x128xf32, #tpu.memory_space<hbm>> -> memref<128x128xf32, #tpu.memory_space<hbm>>
        tpu.wait_dma2 semaphore(%run_scoped3A : memref<!tpu.dma_semaphore, #tpu.memory_space<semaphore_mem>>) src(%arg10 : memref<128x128xf32, #tpu.memory_space<vmem>>) dst(%dma_wait3A_66 : memref<128x128xf32, #tpu.memory_space<hbm>>)
        tpu.yield
      }) : () -> ()
      %mul3A_45 = arith.constant 640 : i32
      %mul3A_46 = arith.muli %arg1, %mul3A_45 : i32
      %add3A_47 = arith.constant 128 : i32
      %add3A_48 = arith.addi %mul3A_46, %add3A_47 : i32
      "tpu.region"() ({
        %run_scoped3A = tpu.sem_alloc : memref<!tpu.dma_semaphore, #tpu.memory_space<semaphore_mem>>
        %dma_start3A = arith.constant 0 : i32
        %dma_start3A_61 = tpu.memref_slice %arg11[%add3A_48, %dma_start3A] : memref<10240x128xf32, #tpu.memory_space<vmem_shared>> -> memref<128x128xf32, #tpu.memory_space<vmem_shared>>
        %dma_start3A_62 = arith.constant 0 : i32
        %dma_start3A_63 = tpu.memref_slice %arg11[%add3A_48, %dma_start3A_62] : memref<10240x128xf32, #tpu.memory_space<vmem_shared>> -> memref<128x128xf32, #tpu.memory_space<vmem_shared>>
        tpu.enqueue_dma source(%dma_start3A_63 : memref<128x128xf32, #tpu.memory_space<vmem_shared>>) target(%arg10 : memref<128x128xf32, #tpu.memory_space<vmem>>) target_semaphore(%run_scoped3A : memref<!tpu.dma_semaphore, #tpu.memory_space<semaphore_mem>>)
        %dma_wait3A = arith.constant 0 : i32
        %dma_wait3A_64 = tpu.memref_slice %arg11[%add3A_48, %dma_wait3A] : memref<10240x128xf32, #tpu.memory_space<vmem_shared>> -> memref<128x128xf32, #tpu.memory_space<vmem_shared>>
        %dma_wait3A_65 = arith.constant 0 : i32
        %dma_wait3A_66 = tpu.memref_slice %arg11[%add3A_48, %dma_wait3A_65] : memref<10240x128xf32, #tpu.memory_space<vmem_shared>> -> memref<128x128xf32, #tpu.memory_space<vmem_shared>>
        tpu.wait_dma2 semaphore(%run_scoped3A : memref<!tpu.dma_semaphore, #tpu.memory_space<semaphore_mem>>) src(%dma_wait3A_66 : memref<128x128xf32, #tpu.memory_space<vmem_shared>>) dst(%arg10 : memref<128x128xf32, #tpu.memory_space<vmem>>)
        tpu.yield
      }) : () -> ()
      "tpu.region"() ({
        %run_scoped3A = tpu.sem_alloc : memref<!tpu.dma_semaphore, #tpu.memory_space<semaphore_mem>>
        %dma_start3A = arith.constant 0 : i32
        %dma_start3A_61 = tpu.memref_slice %arg6[%add3A_48, %dma_start3A] : memref<10240x128xf32, #tpu.memory_space<hbm>> -> memref<128x128xf32, #tpu.memory_space<hbm>>
        %dma_start3A_62 = arith.constant 0 : i32
        %dma_start3A_63 = tpu.memref_slice %arg6[%add3A_48, %dma_start3A_62] : memref<10240x128xf32, #tpu.memory_space<hbm>> -> memref<128x128xf32, #tpu.memory_space<hbm>>
        tpu.enqueue_dma source(%arg10 : memref<128x128xf32, #tpu.memory_space<vmem>>) target(%dma_start3A_63 : memref<128x128xf32, #tpu.memory_space<hbm>>) target_semaphore(%run_scoped3A : memref<!tpu.dma_semaphore, #tpu.memory_space<semaphore_mem>>)
        %dma_wait3A = arith.constant 0 : i32
        %dma_wait3A_64 = tpu.memref_slice %arg6[%add3A_48, %dma_wait3A] : memref<10240x128xf32, #tpu.memory_space<hbm>> -> memref<128x128xf32, #tpu.memory_space<hbm>>
        %dma_wait3A_65 = arith.constant 0 : i32
        %dma_wait3A_66 = tpu.memref_slice %arg6[%add3A_48, %dma_wait3A_65] : memref<10240x128xf32, #tpu.memory_space<hbm>> -> memref<128x128xf32, #tpu.memory_space<hbm>>
        tpu.wait_dma2 semaphore(%run_scoped3A : memref<!tpu.dma_semaphore, #tpu.memory_space<semaphore_mem>>) src(%arg10 : memref<128x128xf32, #tpu.memory_space<vmem>>) dst(%dma_wait3A_66 : memref<128x128xf32, #tpu.memory_space<hbm>>)
        tpu.yield
      }) : () -> ()
      %mul3A_49 = arith.constant 640 : i32
      %mul3A_50 = arith.muli %arg1, %mul3A_49 : i32
      %add3A_51 = arith.constant 256 : i32
      %add3A_52 = arith.addi %mul3A_50, %add3A_51 : i32
      "tpu.region"() ({
        %run_scoped3A = tpu.sem_alloc : memref<!tpu.dma_semaphore, #tpu.memory_space<semaphore_mem>>
        %dma_start3A = arith.constant 0 : i32
        %dma_start3A_61 = tpu.memref_slice %arg11[%add3A_52, %dma_start3A] : memref<10240x128xf32, #tpu.memory_space<vmem_shared>> -> memref<128x128xf32, #tpu.memory_space<vmem_shared>>
        %dma_start3A_62 = arith.constant 0 : i32
        %dma_start3A_63 = tpu.memref_slice %arg11[%add3A_52, %dma_start3A_62] : memref<10240x128xf32, #tpu.memory_space<vmem_shared>> -> memref<128x128xf32, #tpu.memory_space<vmem_shared>>
        tpu.enqueue_dma source(%dma_start3A_63 : memref<128x128xf32, #tpu.memory_space<vmem_shared>>) target(%arg10 : memref<128x128xf32, #tpu.memory_space<vmem>>) target_semaphore(%run_scoped3A : memref<!tpu.dma_semaphore, #tpu.memory_space<semaphore_mem>>)
        %dma_wait3A = arith.constant 0 : i32
        %dma_wait3A_64 = tpu.memref_slice %arg11[%add3A_52, %dma_wait3A] : memref<10240x128xf32, #tpu.memory_space<vmem_shared>> -> memref<128x128xf32, #tpu.memory_space<vmem_shared>>
        %dma_wait3A_65 = arith.constant 0 : i32
        %dma_wait3A_66 = tpu.memref_slice %arg11[%add3A_52, %dma_wait3A_65] : memref<10240x128xf32, #tpu.memory_space<vmem_shared>> -> memref<128x128xf32, #tpu.memory_space<vmem_shared>>
        tpu.wait_dma2 semaphore(%run_scoped3A : memref<!tpu.dma_semaphore, #tpu.memory_space<semaphore_mem>>) src(%dma_wait3A_66 : memref<128x128xf32, #tpu.memory_space<vmem_shared>>) dst(%arg10 : memref<128x128xf32, #tpu.memory_space<vmem>>)
        tpu.yield
      }) : () -> ()
      "tpu.region"() ({
        %run_scoped3A = tpu.sem_alloc : memref<!tpu.dma_semaphore, #tpu.memory_space<semaphore_mem>>
        %dma_start3A = arith.constant 0 : i32
        %dma_start3A_61 = tpu.memref_slice %arg6[%add3A_52, %dma_start3A] : memref<10240x128xf32, #tpu.memory_space<hbm>> -> memref<128x128xf32, #tpu.memory_space<hbm>>
        %dma_start3A_62 = arith.constant 0 : i32
        %dma_start3A_63 = tpu.memref_slice %arg6[%add3A_52, %dma_start3A_62] : memref<10240x128xf32, #tpu.memory_space<hbm>> -> memref<128x128xf32, #tpu.memory_space<hbm>>
        tpu.enqueue_dma source(%arg10 : memref<128x128xf32, #tpu.memory_space<vmem>>) target(%dma_start3A_63 : memref<128x128xf32, #tpu.memory_space<hbm>>) target_semaphore(%run_scoped3A : memref<!tpu.dma_semaphore, #tpu.memory_space<semaphore_mem>>)
        %dma_wait3A = arith.constant 0 : i32
        %dma_wait3A_64 = tpu.memref_slice %arg6[%add3A_52, %dma_wait3A] : memref<10240x128xf32, #tpu.memory_space<hbm>> -> memref<128x128xf32, #tpu.memory_space<hbm>>
        %dma_wait3A_65 = arith.constant 0 : i32
        %dma_wait3A_66 = tpu.memref_slice %arg6[%add3A_52, %dma_wait3A_65] : memref<10240x128xf32, #tpu.memory_space<hbm>> -> memref<128x128xf32, #tpu.memory_space<hbm>>
        tpu.wait_dma2 semaphore(%run_scoped3A : memref<!tpu.dma_semaphore, #tpu.memory_space<semaphore_mem>>) src(%arg10 : memref<128x128xf32, #tpu.memory_space<vmem>>) dst(%dma_wait3A_66 : memref<128x128xf32, #tpu.memory_space<hbm>>)
        tpu.yield
      }) : () -> ()
      %mul3A_53 = arith.constant 640 : i32
      %mul3A_54 = arith.muli %arg1, %mul3A_53 : i32
      %add3A_55 = arith.constant 384 : i32
      %add3A_56 = arith.addi %mul3A_54, %add3A_55 : i32
      "tpu.region"() ({
        %run_scoped3A = tpu.sem_alloc : memref<!tpu.dma_semaphore, #tpu.memory_space<semaphore_mem>>
        %dma_start3A = arith.constant 0 : i32
        %dma_start3A_61 = tpu.memref_slice %arg11[%add3A_56, %dma_start3A] : memref<10240x128xf32, #tpu.memory_space<vmem_shared>> -> memref<128x128xf32, #tpu.memory_space<vmem_shared>>
        %dma_start3A_62 = arith.constant 0 : i32
        %dma_start3A_63 = tpu.memref_slice %arg11[%add3A_56, %dma_start3A_62] : memref<10240x128xf32, #tpu.memory_space<vmem_shared>> -> memref<128x128xf32, #tpu.memory_space<vmem_shared>>
        tpu.enqueue_dma source(%dma_start3A_63 : memref<128x128xf32, #tpu.memory_space<vmem_shared>>) target(%arg10 : memref<128x128xf32, #tpu.memory_space<vmem>>) target_semaphore(%run_scoped3A : memref<!tpu.dma_semaphore, #tpu.memory_space<semaphore_mem>>)
        %dma_wait3A = arith.constant 0 : i32
        %dma_wait3A_64 = tpu.memref_slice %arg11[%add3A_56, %dma_wait3A] : memref<10240x128xf32, #tpu.memory_space<vmem_shared>> -> memref<128x128xf32, #tpu.memory_space<vmem_shared>>
        %dma_wait3A_65 = arith.constant 0 : i32
        %dma_wait3A_66 = tpu.memref_slice %arg11[%add3A_56, %dma_wait3A_65] : memref<10240x128xf32, #tpu.memory_space<vmem_shared>> -> memref<128x128xf32, #tpu.memory_space<vmem_shared>>
        tpu.wait_dma2 semaphore(%run_scoped3A : memref<!tpu.dma_semaphore, #tpu.memory_space<semaphore_mem>>) src(%dma_wait3A_66 : memref<128x128xf32, #tpu.memory_space<vmem_shared>>) dst(%arg10 : memref<128x128xf32, #tpu.memory_space<vmem>>)
        tpu.yield
      }) : () -> ()
      "tpu.region"() ({
        %run_scoped3A = tpu.sem_alloc : memref<!tpu.dma_semaphore, #tpu.memory_space<semaphore_mem>>
        %dma_start3A = arith.constant 0 : i32
        %dma_start3A_61 = tpu.memref_slice %arg6[%add3A_56, %dma_start3A] : memref<10240x128xf32, #tpu.memory_space<hbm>> -> memref<128x128xf32, #tpu.memory_space<hbm>>
        %dma_start3A_62 = arith.constant 0 : i32
        %dma_start3A_63 = tpu.memref_slice %arg6[%add3A_56, %dma_start3A_62] : memref<10240x128xf32, #tpu.memory_space<hbm>> -> memref<128x128xf32, #tpu.memory_space<hbm>>
        tpu.enqueue_dma source(%arg10 : memref<128x128xf32, #tpu.memory_space<vmem>>) target(%dma_start3A_63 : memref<128x128xf32, #tpu.memory_space<hbm>>) target_semaphore(%run_scoped3A : memref<!tpu.dma_semaphore, #tpu.memory_space<semaphore_mem>>)
        %dma_wait3A = arith.constant 0 : i32
        %dma_wait3A_64 = tpu.memref_slice %arg6[%add3A_56, %dma_wait3A] : memref<10240x128xf32, #tpu.memory_space<hbm>> -> memref<128x128xf32, #tpu.memory_space<hbm>>
        %dma_wait3A_65 = arith.constant 0 : i32
        %dma_wait3A_66 = tpu.memref_slice %arg6[%add3A_56, %dma_wait3A_65] : memref<10240x128xf32, #tpu.memory_space<hbm>> -> memref<128x128xf32, #tpu.memory_space<hbm>>
        tpu.wait_dma2 semaphore(%run_scoped3A : memref<!tpu.dma_semaphore, #tpu.memory_space<semaphore_mem>>) src(%arg10 : memref<128x128xf32, #tpu.memory_space<vmem>>) dst(%dma_wait3A_66 : memref<128x128xf32, #tpu.memory_space<hbm>>)
        tpu.yield
      }) : () -> ()
      %mul3A_57 = arith.constant 640 : i32
      %mul3A_58 = arith.muli %arg1, %mul3A_57 : i32
      %add3A_59 = arith.constant 512 : i32
      %add3A_60 = arith.addi %mul3A_58, %add3A_59 : i32
      "tpu.region"() ({
        %run_scoped3A = tpu.sem_alloc : memref<!tpu.dma_semaphore, #tpu.memory_space<semaphore_mem>>
        %dma_start3A = arith.constant 0 : i32
        %dma_start3A_61 = tpu.memref_slice %arg11[%add3A_60, %dma_start3A] : memref<10240x128xf32, #tpu.memory_space<vmem_shared>> -> memref<128x128xf32, #tpu.memory_space<vmem_shared>>
        %dma_start3A_62 = arith.constant 0 : i32
        %dma_start3A_63 = tpu.memref_slice %arg11[%add3A_60, %dma_start3A_62] : memref<10240x128xf32, #tpu.memory_space<vmem_shared>> -> memref<128x128xf32, #tpu.memory_space<vmem_shared>>
        tpu.enqueue_dma source(%dma_start3A_63 : memref<128x128xf32, #tpu.memory_space<vmem_shared>>) target(%arg10 : memref<128x128xf32, #tpu.memory_space<vmem>>) target_semaphore(%run_scoped3A : memref<!tpu.dma_semaphore, #tpu.memory_space<semaphore_mem>>)
        %dma_wait3A = arith.constant 0 : i32
        %dma_wait3A_64 = tpu.memref_slice %arg11[%add3A_60, %dma_wait3A] : memref<10240x128xf32, #tpu.memory_space<vmem_shared>> -> memref<128x128xf32, #tpu.memory_space<vmem_shared>>
        %dma_wait3A_65 = arith.constant 0 : i32
        %dma_wait3A_66 = tpu.memref_slice %arg11[%add3A_60, %dma_wait3A_65] : memref<10240x128xf32, #tpu.memory_space<vmem_shared>> -> memref<128x128xf32, #tpu.memory_space<vmem_shared>>
        tpu.wait_dma2 semaphore(%run_scoped3A : memref<!tpu.dma_semaphore, #tpu.memory_space<semaphore_mem>>) src(%dma_wait3A_66 : memref<128x128xf32, #tpu.memory_space<vmem_shared>>) dst(%arg10 : memref<128x128xf32, #tpu.memory_space<vmem>>)
        tpu.yield
      }) : () -> ()
      "tpu.region"() ({
        %run_scoped3A = tpu.sem_alloc : memref<!tpu.dma_semaphore, #tpu.memory_space<semaphore_mem>>
        %dma_start3A = arith.constant 0 : i32
        %dma_start3A_61 = tpu.memref_slice %arg6[%add3A_60, %dma_start3A] : memref<10240x128xf32, #tpu.memory_space<hbm>> -> memref<128x128xf32, #tpu.memory_space<hbm>>
        %dma_start3A_62 = arith.constant 0 : i32
        %dma_start3A_63 = tpu.memref_slice %arg6[%add3A_60, %dma_start3A_62] : memref<10240x128xf32, #tpu.memory_space<hbm>> -> memref<128x128xf32, #tpu.memory_space<hbm>>
        tpu.enqueue_dma source(%arg10 : memref<128x128xf32, #tpu.memory_space<vmem>>) target(%dma_start3A_63 : memref<128x128xf32, #tpu.memory_space<hbm>>) target_semaphore(%run_scoped3A : memref<!tpu.dma_semaphore, #tpu.memory_space<semaphore_mem>>)
        %dma_wait3A = arith.constant 0 : i32
        %dma_wait3A_64 = tpu.memref_slice %arg6[%add3A_60, %dma_wait3A] : memref<10240x128xf32, #tpu.memory_space<hbm>> -> memref<128x128xf32, #tpu.memory_space<hbm>>
        %dma_wait3A_65 = arith.constant 0 : i32
        %dma_wait3A_66 = tpu.memref_slice %arg6[%add3A_60, %dma_wait3A_65] : memref<10240x128xf32, #tpu.memory_space<hbm>> -> memref<128x128xf32, #tpu.memory_space<hbm>>
        tpu.wait_dma2 semaphore(%run_scoped3A : memref<!tpu.dma_semaphore, #tpu.memory_space<semaphore_mem>>) src(%arg10 : memref<128x128xf32, #tpu.memory_space<vmem>>) dst(%dma_wait3A_66 : memref<128x128xf32, #tpu.memory_space<hbm>>)
        tpu.yield
      }) : () -> ()
    } else {
    }
    %eq3A_36 = arith.constant 1 : i32
    %eq3A_37 = arith.cmpi eq, %arg0, %eq3A_36 : i32
    %convert_element_type3A_38 = arith.extui %eq3A_37 : i1 to i32
    %cond3A_39 = arith.constant 0 : i32
    %cond3A_40 = arith.cmpi ne, %convert_element_type3A_38, %cond3A_39 : i32
    scf.if %cond3A_40 {
      %mul3A_41 = arith.constant 640 : i32
      %mul3A_42 = arith.muli %arg1, %mul3A_41 : i32
      %add3A_43 = arith.constant 0 : i32
      %add3A_44 = arith.addi %mul3A_42, %add3A_43 : i32
      "tpu.region"() ({
        %run_scoped3A = tpu.sem_alloc : memref<!tpu.dma_semaphore, #tpu.memory_space<semaphore_mem>>
        %dma_start3A = arith.constant 0 : i32
        %dma_start3A_61 = tpu.memref_slice %arg11[%add3A_44, %dma_start3A] : memref<10240x128xf32, #tpu.memory_space<vmem_shared>> -> memref<128x128xf32, #tpu.memory_space<vmem_shared>>
        %dma_start3A_62 = arith.constant 0 : i32
        %dma_start3A_63 = tpu.memref_slice %arg11[%add3A_44, %dma_start3A_62] : memref<10240x128xf32, #tpu.memory_space<vmem_shared>> -> memref<128x128xf32, #tpu.memory_space<vmem_shared>>
        tpu.enqueue_dma source(%dma_start3A_63 : memref<128x128xf32, #tpu.memory_space<vmem_shared>>) target(%arg10 : memref<128x128xf32, #tpu.memory_space<vmem>>) target_semaphore(%run_scoped3A : memref<!tpu.dma_semaphore, #tpu.memory_space<semaphore_mem>>)
        %dma_wait3A = arith.constant 0 : i32
        %dma_wait3A_64 = tpu.memref_slice %arg11[%add3A_44, %dma_wait3A] : memref<10240x128xf32, #tpu.memory_space<vmem_shared>> -> memref<128x128xf32, #tpu.memory_space<vmem_shared>>
        %dma_wait3A_65 = arith.constant 0 : i32
        %dma_wait3A_66 = tpu.memref_slice %arg11[%add3A_44, %dma_wait3A_65] : memref<10240x128xf32, #tpu.memory_space<vmem_shared>> -> memref<128x128xf32, #tpu.memory_space<vmem_shared>>
        tpu.wait_dma2 semaphore(%run_scoped3A : memref<!tpu.dma_semaphore, #tpu.memory_space<semaphore_mem>>) src(%dma_wait3A_66 : memref<128x128xf32, #tpu.memory_space<vmem_shared>>) dst(%arg10 : memref<128x128xf32, #tpu.memory_space<vmem>>)
        tpu.yield
      }) : () -> ()
      "tpu.region"() ({
        %run_scoped3A = tpu.sem_alloc : memref<!tpu.dma_semaphore, #tpu.memory_space<semaphore_mem>>
        %dma_start3A = arith.constant 0 : i32
        %dma_start3A_61 = tpu.memref_slice %arg7[%add3A_44, %dma_start3A] : memref<10240x128xf32, #tpu.memory_space<hbm>> -> memref<128x128xf32, #tpu.memory_space<hbm>>
        %dma_start3A_62 = arith.constant 0 : i32
        %dma_start3A_63 = tpu.memref_slice %arg7[%add3A_44, %dma_start3A_62] : memref<10240x128xf32, #tpu.memory_space<hbm>> -> memref<128x128xf32, #tpu.memory_space<hbm>>
        tpu.enqueue_dma source(%arg10 : memref<128x128xf32, #tpu.memory_space<vmem>>) target(%dma_start3A_63 : memref<128x128xf32, #tpu.memory_space<hbm>>) target_semaphore(%run_scoped3A : memref<!tpu.dma_semaphore, #tpu.memory_space<semaphore_mem>>)
        %dma_wait3A = arith.constant 0 : i32
        %dma_wait3A_64 = tpu.memref_slice %arg7[%add3A_44, %dma_wait3A] : memref<10240x128xf32, #tpu.memory_space<hbm>> -> memref<128x128xf32, #tpu.memory_space<hbm>>
        %dma_wait3A_65 = arith.constant 0 : i32
        %dma_wait3A_66 = tpu.memref_slice %arg7[%add3A_44, %dma_wait3A_65] : memref<10240x128xf32, #tpu.memory_space<hbm>> -> memref<128x128xf32, #tpu.memory_space<hbm>>
        tpu.wait_dma2 semaphore(%run_scoped3A : memref<!tpu.dma_semaphore, #tpu.memory_space<semaphore_mem>>) src(%arg10 : memref<128x128xf32, #tpu.memory_space<vmem>>) dst(%dma_wait3A_66 : memref<128x128xf32, #tpu.memory_space<hbm>>)
        tpu.yield
      }) : () -> ()
      %mul3A_45 = arith.constant 640 : i32
      %mul3A_46 = arith.muli %arg1, %mul3A_45 : i32
      %add3A_47 = arith.constant 128 : i32
      %add3A_48 = arith.addi %mul3A_46, %add3A_47 : i32
      "tpu.region"() ({
        %run_scoped3A = tpu.sem_alloc : memref<!tpu.dma_semaphore, #tpu.memory_space<semaphore_mem>>
        %dma_start3A = arith.constant 0 : i32
        %dma_start3A_61 = tpu.memref_slice %arg11[%add3A_48, %dma_start3A] : memref<10240x128xf32, #tpu.memory_space<vmem_shared>> -> memref<128x128xf32, #tpu.memory_space<vmem_shared>>
        %dma_start3A_62 = arith.constant 0 : i32
        %dma_start3A_63 = tpu.memref_slice %arg11[%add3A_48, %dma_start3A_62] : memref<10240x128xf32, #tpu.memory_space<vmem_shared>> -> memref<128x128xf32, #tpu.memory_space<vmem_shared>>
        tpu.enqueue_dma source(%dma_start3A_63 : memref<128x128xf32, #tpu.memory_space<vmem_shared>>) target(%arg10 : memref<128x128xf32, #tpu.memory_space<vmem>>) target_semaphore(%run_scoped3A : memref<!tpu.dma_semaphore, #tpu.memory_space<semaphore_mem>>)
        %dma_wait3A = arith.constant 0 : i32
        %dma_wait3A_64 = tpu.memref_slice %arg11[%add3A_48, %dma_wait3A] : memref<10240x128xf32, #tpu.memory_space<vmem_shared>> -> memref<128x128xf32, #tpu.memory_space<vmem_shared>>
        %dma_wait3A_65 = arith.constant 0 : i32
        %dma_wait3A_66 = tpu.memref_slice %arg11[%add3A_48, %dma_wait3A_65] : memref<10240x128xf32, #tpu.memory_space<vmem_shared>> -> memref<128x128xf32, #tpu.memory_space<vmem_shared>>
        tpu.wait_dma2 semaphore(%run_scoped3A : memref<!tpu.dma_semaphore, #tpu.memory_space<semaphore_mem>>) src(%dma_wait3A_66 : memref<128x128xf32, #tpu.memory_space<vmem_shared>>) dst(%arg10 : memref<128x128xf32, #tpu.memory_space<vmem>>)
        tpu.yield
      }) : () -> ()
      "tpu.region"() ({
        %run_scoped3A = tpu.sem_alloc : memref<!tpu.dma_semaphore, #tpu.memory_space<semaphore_mem>>
        %dma_start3A = arith.constant 0 : i32
        %dma_start3A_61 = tpu.memref_slice %arg7[%add3A_48, %dma_start3A] : memref<10240x128xf32, #tpu.memory_space<hbm>> -> memref<128x128xf32, #tpu.memory_space<hbm>>
        %dma_start3A_62 = arith.constant 0 : i32
        %dma_start3A_63 = tpu.memref_slice %arg7[%add3A_48, %dma_start3A_62] : memref<10240x128xf32, #tpu.memory_space<hbm>> -> memref<128x128xf32, #tpu.memory_space<hbm>>
        tpu.enqueue_dma source(%arg10 : memref<128x128xf32, #tpu.memory_space<vmem>>) target(%dma_start3A_63 : memref<128x128xf32, #tpu.memory_space<hbm>>) target_semaphore(%run_scoped3A : memref<!tpu.dma_semaphore, #tpu.memory_space<semaphore_mem>>)
        %dma_wait3A = arith.constant 0 : i32
        %dma_wait3A_64 = tpu.memref_slice %arg7[%add3A_48, %dma_wait3A] : memref<10240x128xf32, #tpu.memory_space<hbm>> -> memref<128x128xf32, #tpu.memory_space<hbm>>
        %dma_wait3A_65 = arith.constant 0 : i32
        %dma_wait3A_66 = tpu.memref_slice %arg7[%add3A_48, %dma_wait3A_65] : memref<10240x128xf32, #tpu.memory_space<hbm>> -> memref<128x128xf32, #tpu.memory_space<hbm>>
        tpu.wait_dma2 semaphore(%run_scoped3A : memref<!tpu.dma_semaphore, #tpu.memory_space<semaphore_mem>>) src(%arg10 : memref<128x128xf32, #tpu.memory_space<vmem>>) dst(%dma_wait3A_66 : memref<128x128xf32, #tpu.memory_space<hbm>>)
        tpu.yield
      }) : () -> ()
      %mul3A_49 = arith.constant 640 : i32
      %mul3A_50 = arith.muli %arg1, %mul3A_49 : i32
      %add3A_51 = arith.constant 256 : i32
      %add3A_52 = arith.addi %mul3A_50, %add3A_51 : i32
      "tpu.region"() ({
        %run_scoped3A = tpu.sem_alloc : memref<!tpu.dma_semaphore, #tpu.memory_space<semaphore_mem>>
        %dma_start3A = arith.constant 0 : i32
        %dma_start3A_61 = tpu.memref_slice %arg11[%add3A_52, %dma_start3A] : memref<10240x128xf32, #tpu.memory_space<vmem_shared>> -> memref<128x128xf32, #tpu.memory_space<vmem_shared>>
        %dma_start3A_62 = arith.constant 0 : i32
        %dma_start3A_63 = tpu.memref_slice %arg11[%add3A_52, %dma_start3A_62] : memref<10240x128xf32, #tpu.memory_space<vmem_shared>> -> memref<128x128xf32, #tpu.memory_space<vmem_shared>>
        tpu.enqueue_dma source(%dma_start3A_63 : memref<128x128xf32, #tpu.memory_space<vmem_shared>>) target(%arg10 : memref<128x128xf32, #tpu.memory_space<vmem>>) target_semaphore(%run_scoped3A : memref<!tpu.dma_semaphore, #tpu.memory_space<semaphore_mem>>)
        %dma_wait3A = arith.constant 0 : i32
        %dma_wait3A_64 = tpu.memref_slice %arg11[%add3A_52, %dma_wait3A] : memref<10240x128xf32, #tpu.memory_space<vmem_shared>> -> memref<128x128xf32, #tpu.memory_space<vmem_shared>>
        %dma_wait3A_65 = arith.constant 0 : i32
        %dma_wait3A_66 = tpu.memref_slice %arg11[%add3A_52, %dma_wait3A_65] : memref<10240x128xf32, #tpu.memory_space<vmem_shared>> -> memref<128x128xf32, #tpu.memory_space<vmem_shared>>
        tpu.wait_dma2 semaphore(%run_scoped3A : memref<!tpu.dma_semaphore, #tpu.memory_space<semaphore_mem>>) src(%dma_wait3A_66 : memref<128x128xf32, #tpu.memory_space<vmem_shared>>) dst(%arg10 : memref<128x128xf32, #tpu.memory_space<vmem>>)
        tpu.yield
      }) : () -> ()
      "tpu.region"() ({
        %run_scoped3A = tpu.sem_alloc : memref<!tpu.dma_semaphore, #tpu.memory_space<semaphore_mem>>
        %dma_start3A = arith.constant 0 : i32
        %dma_start3A_61 = tpu.memref_slice %arg7[%add3A_52, %dma_start3A] : memref<10240x128xf32, #tpu.memory_space<hbm>> -> memref<128x128xf32, #tpu.memory_space<hbm>>
        %dma_start3A_62 = arith.constant 0 : i32
        %dma_start3A_63 = tpu.memref_slice %arg7[%add3A_52, %dma_start3A_62] : memref<10240x128xf32, #tpu.memory_space<hbm>> -> memref<128x128xf32, #tpu.memory_space<hbm>>
        tpu.enqueue_dma source(%arg10 : memref<128x128xf32, #tpu.memory_space<vmem>>) target(%dma_start3A_63 : memref<128x128xf32, #tpu.memory_space<hbm>>) target_semaphore(%run_scoped3A : memref<!tpu.dma_semaphore, #tpu.memory_space<semaphore_mem>>)
        %dma_wait3A = arith.constant 0 : i32
        %dma_wait3A_64 = tpu.memref_slice %arg7[%add3A_52, %dma_wait3A] : memref<10240x128xf32, #tpu.memory_space<hbm>> -> memref<128x128xf32, #tpu.memory_space<hbm>>
        %dma_wait3A_65 = arith.constant 0 : i32
        %dma_wait3A_66 = tpu.memref_slice %arg7[%add3A_52, %dma_wait3A_65] : memref<10240x128xf32, #tpu.memory_space<hbm>> -> memref<128x128xf32, #tpu.memory_space<hbm>>
        tpu.wait_dma2 semaphore(%run_scoped3A : memref<!tpu.dma_semaphore, #tpu.memory_space<semaphore_mem>>) src(%arg10 : memref<128x128xf32, #tpu.memory_space<vmem>>) dst(%dma_wait3A_66 : memref<128x128xf32, #tpu.memory_space<hbm>>)
        tpu.yield
      }) : () -> ()
      %mul3A_53 = arith.constant 640 : i32
      %mul3A_54 = arith.muli %arg1, %mul3A_53 : i32
      %add3A_55 = arith.constant 384 : i32
      %add3A_56 = arith.addi %mul3A_54, %add3A_55 : i32
      "tpu.region"() ({
        %run_scoped3A = tpu.sem_alloc : memref<!tpu.dma_semaphore, #tpu.memory_space<semaphore_mem>>
        %dma_start3A = arith.constant 0 : i32
        %dma_start3A_61 = tpu.memref_slice %arg11[%add3A_56, %dma_start3A] : memref<10240x128xf32, #tpu.memory_space<vmem_shared>> -> memref<128x128xf32, #tpu.memory_space<vmem_shared>>
        %dma_start3A_62 = arith.constant 0 : i32
        %dma_start3A_63 = tpu.memref_slice %arg11[%add3A_56, %dma_start3A_62] : memref<10240x128xf32, #tpu.memory_space<vmem_shared>> -> memref<128x128xf32, #tpu.memory_space<vmem_shared>>
        tpu.enqueue_dma source(%dma_start3A_63 : memref<128x128xf32, #tpu.memory_space<vmem_shared>>) target(%arg10 : memref<128x128xf32, #tpu.memory_space<vmem>>) target_semaphore(%run_scoped3A : memref<!tpu.dma_semaphore, #tpu.memory_space<semaphore_mem>>)
        %dma_wait3A = arith.constant 0 : i32
        %dma_wait3A_64 = tpu.memref_slice %arg11[%add3A_56, %dma_wait3A] : memref<10240x128xf32, #tpu.memory_space<vmem_shared>> -> memref<128x128xf32, #tpu.memory_space<vmem_shared>>
        %dma_wait3A_65 = arith.constant 0 : i32
        %dma_wait3A_66 = tpu.memref_slice %arg11[%add3A_56, %dma_wait3A_65] : memref<10240x128xf32, #tpu.memory_space<vmem_shared>> -> memref<128x128xf32, #tpu.memory_space<vmem_shared>>
        tpu.wait_dma2 semaphore(%run_scoped3A : memref<!tpu.dma_semaphore, #tpu.memory_space<semaphore_mem>>) src(%dma_wait3A_66 : memref<128x128xf32, #tpu.memory_space<vmem_shared>>) dst(%arg10 : memref<128x128xf32, #tpu.memory_space<vmem>>)
        tpu.yield
      }) : () -> ()
      "tpu.region"() ({
        %run_scoped3A = tpu.sem_alloc : memref<!tpu.dma_semaphore, #tpu.memory_space<semaphore_mem>>
        %dma_start3A = arith.constant 0 : i32
        %dma_start3A_61 = tpu.memref_slice %arg7[%add3A_56, %dma_start3A] : memref<10240x128xf32, #tpu.memory_space<hbm>> -> memref<128x128xf32, #tpu.memory_space<hbm>>
        %dma_start3A_62 = arith.constant 0 : i32
        %dma_start3A_63 = tpu.memref_slice %arg7[%add3A_56, %dma_start3A_62] : memref<10240x128xf32, #tpu.memory_space<hbm>> -> memref<128x128xf32, #tpu.memory_space<hbm>>
        tpu.enqueue_dma source(%arg10 : memref<128x128xf32, #tpu.memory_space<vmem>>) target(%dma_start3A_63 : memref<128x128xf32, #tpu.memory_space<hbm>>) target_semaphore(%run_scoped3A : memref<!tpu.dma_semaphore, #tpu.memory_space<semaphore_mem>>)
        %dma_wait3A = arith.constant 0 : i32
        %dma_wait3A_64 = tpu.memref_slice %arg7[%add3A_56, %dma_wait3A] : memref<10240x128xf32, #tpu.memory_space<hbm>> -> memref<128x128xf32, #tpu.memory_space<hbm>>
        %dma_wait3A_65 = arith.constant 0 : i32
        %dma_wait3A_66 = tpu.memref_slice %arg7[%add3A_56, %dma_wait3A_65] : memref<10240x128xf32, #tpu.memory_space<hbm>> -> memref<128x128xf32, #tpu.memory_space<hbm>>
        tpu.wait_dma2 semaphore(%run_scoped3A : memref<!tpu.dma_semaphore, #tpu.memory_space<semaphore_mem>>) src(%arg10 : memref<128x128xf32, #tpu.memory_space<vmem>>) dst(%dma_wait3A_66 : memref<128x128xf32, #tpu.memory_space<hbm>>)
        tpu.yield
      }) : () -> ()
      %mul3A_57 = arith.constant 640 : i32
      %mul3A_58 = arith.muli %arg1, %mul3A_57 : i32
      %add3A_59 = arith.constant 512 : i32
      %add3A_60 = arith.addi %mul3A_58, %add3A_59 : i32
      "tpu.region"() ({
        %run_scoped3A = tpu.sem_alloc : memref<!tpu.dma_semaphore, #tpu.memory_space<semaphore_mem>>
        %dma_start3A = arith.constant 0 : i32
        %dma_start3A_61 = tpu.memref_slice %arg11[%add3A_60, %dma_start3A] : memref<10240x128xf32, #tpu.memory_space<vmem_shared>> -> memref<128x128xf32, #tpu.memory_space<vmem_shared>>
        %dma_start3A_62 = arith.constant 0 : i32
        %dma_start3A_63 = tpu.memref_slice %arg11[%add3A_60, %dma_start3A_62] : memref<10240x128xf32, #tpu.memory_space<vmem_shared>> -> memref<128x128xf32, #tpu.memory_space<vmem_shared>>
        tpu.enqueue_dma source(%dma_start3A_63 : memref<128x128xf32, #tpu.memory_space<vmem_shared>>) target(%arg10 : memref<128x128xf32, #tpu.memory_space<vmem>>) target_semaphore(%run_scoped3A : memref<!tpu.dma_semaphore, #tpu.memory_space<semaphore_mem>>)
        %dma_wait3A = arith.constant 0 : i32
        %dma_wait3A_64 = tpu.memref_slice %arg11[%add3A_60, %dma_wait3A] : memref<10240x128xf32, #tpu.memory_space<vmem_shared>> -> memref<128x128xf32, #tpu.memory_space<vmem_shared>>
        %dma_wait3A_65 = arith.constant 0 : i32
        %dma_wait3A_66 = tpu.memref_slice %arg11[%add3A_60, %dma_wait3A_65] : memref<10240x128xf32, #tpu.memory_space<vmem_shared>> -> memref<128x128xf32, #tpu.memory_space<vmem_shared>>
        tpu.wait_dma2 semaphore(%run_scoped3A : memref<!tpu.dma_semaphore, #tpu.memory_space<semaphore_mem>>) src(%dma_wait3A_66 : memref<128x128xf32, #tpu.memory_space<vmem_shared>>) dst(%arg10 : memref<128x128xf32, #tpu.memory_space<vmem>>)
        tpu.yield
      }) : () -> ()
      "tpu.region"() ({
        %run_scoped3A = tpu.sem_alloc : memref<!tpu.dma_semaphore, #tpu.memory_space<semaphore_mem>>
        %dma_start3A = arith.constant 0 : i32
        %dma_start3A_61 = tpu.memref_slice %arg7[%add3A_60, %dma_start3A] : memref<10240x128xf32, #tpu.memory_space<hbm>> -> memref<128x128xf32, #tpu.memory_space<hbm>>
        %dma_start3A_62 = arith.constant 0 : i32
        %dma_start3A_63 = tpu.memref_slice %arg7[%add3A_60, %dma_start3A_62] : memref<10240x128xf32, #tpu.memory_space<hbm>> -> memref<128x128xf32, #tpu.memory_space<hbm>>
        tpu.enqueue_dma source(%arg10 : memref<128x128xf32, #tpu.memory_space<vmem>>) target(%dma_start3A_63 : memref<128x128xf32, #tpu.memory_space<hbm>>) target_semaphore(%run_scoped3A : memref<!tpu.dma_semaphore, #tpu.memory_space<semaphore_mem>>)
        %dma_wait3A = arith.constant 0 : i32
        %dma_wait3A_64 = tpu.memref_slice %arg7[%add3A_60, %dma_wait3A] : memref<10240x128xf32, #tpu.memory_space<hbm>> -> memref<128x128xf32, #tpu.memory_space<hbm>>
        %dma_wait3A_65 = arith.constant 0 : i32
        %dma_wait3A_66 = tpu.memref_slice %arg7[%add3A_60, %dma_wait3A_65] : memref<10240x128xf32, #tpu.memory_space<hbm>> -> memref<128x128xf32, #tpu.memory_space<hbm>>
        tpu.wait_dma2 semaphore(%run_scoped3A : memref<!tpu.dma_semaphore, #tpu.memory_space<semaphore_mem>>) src(%arg10 : memref<128x128xf32, #tpu.memory_space<vmem>>) dst(%dma_wait3A_66 : memref<128x128xf32, #tpu.memory_space<hbm>>)
        tpu.yield
      }) : () -> ()
    } else {
    }
    return
  }
}

module attributes {stable_mosaic.version = 14 : i64} {
  func.func @_tc_body(%arg0: i32, %arg1: i32, %arg2: memref<400x128xf32, #tpu.memory_space<vmem>>, %arg3: memref<400x128xf32, #tpu.memory_space<vmem>>, %arg4: memref<400x256xf32, #tpu.memory_space<vmem>>, %arg5: memref<128x256xf32, #tpu.memory_space<vmem>>, %arg6: memref<128x256xf32, #tpu.memory_space<vmem>>, %arg7: memref<256x256xf32, #tpu.memory_space<vmem>>, %arg8: memref<1x256xf32, #tpu.memory_space<vmem>>, %arg9: memref<1x256xf32, #tpu.memory_space<vmem>>, %arg10: memref<1x256xf32, #tpu.memory_space<vmem>>, %arg11: memref<400x256xf32, #tpu.memory_space<vmem>>, %arg12: memref<10000x256xf32, #tpu.memory_space<vmem>>, %arg13: memref<1x256xf32, #tpu.memory_space<vmem>>, %arg14: memref<1x256xf32, #tpu.memory_space<vmem>>, %arg15: memref<1x256xf32, #tpu.memory_space<vmem>>, %arg16: memref<1x256xf32, #tpu.memory_space<vmem>>) attributes {dimension_semantics = [#tpu.dimension_semantics<arbitrary>, #tpu.dimension_semantics<arbitrary>], iteration_bounds = array<i64: 2, 25>, scalar_prefetch = 0 : i64, scratch_operands = 5 : i64, tpu.core_type = #tpu.core_type<tc>, window_params = [{transform_indices = @transform_0, window_bounds = array<i64: 400, 128>}, {transform_indices = @transform_1, window_bounds = array<i64: 400, 128>}, {transform_indices = @transform_2, window_bounds = array<i64: 400, 256>}, {pipeline_mode = #tpu.pipeline_mode<synchronous>, transform_indices = @transform_3, window_bounds = array<i64: 128, 256>}, {pipeline_mode = #tpu.pipeline_mode<synchronous>, transform_indices = @transform_4, window_bounds = array<i64: 128, 256>}, {pipeline_mode = #tpu.pipeline_mode<synchronous>, transform_indices = @transform_5, window_bounds = array<i64: 256, 256>}, {pipeline_mode = #tpu.pipeline_mode<synchronous>, transform_indices = @transform_6, window_bounds = array<i64: 1, 256>}, {pipeline_mode = #tpu.pipeline_mode<synchronous>, transform_indices = @transform_7, window_bounds = array<i64: 1, 256>}, {pipeline_mode = #tpu.pipeline_mode<synchronous>, transform_indices = @transform_8, window_bounds = array<i64: 1, 256>}, {transform_indices = @transform_9, window_bounds = array<i64: 400, 256>}]} {
    %eq3A = arith.constant 0 : i32
    %eq3A_0 = arith.cmpi eq, %arg0, %eq3A : i32
    %convert_element_type3A = arith.extui %eq3A_0 : i1 to i32
    %cond3A = arith.constant 0 : i32
    %cond3A_1 = arith.cmpi ne, %convert_element_type3A, %cond3A : i32
    scf.if %cond3A_1 {
      %get3A = arith.constant 0 : index
      %get3A_7 = arith.constant 0 : index
      %get3A_8 = vector.load %arg2[%get3A, %get3A_7] : memref<400x128xf32, #tpu.memory_space<vmem>>, vector<400x128xf32>
      %get3A_9 = arith.constant 0 : index
      %get3A_10 = arith.constant 0 : index
      %get3A_11 = vector.load %arg5[%get3A_9, %get3A_10] : memref<128x256xf32, #tpu.memory_space<vmem>>, vector<128x256xf32>
      %dot_general3A = arith.constant dense<0.000000e+00> : vector<400x256xf32>
      %dot_general3A_12 = tpu.matmul %get3A_8, %get3A_11, %dot_general3A {dimension_numbers = #tpu.dot_dimension_numbers<[1], [0], [0], [1], [0, 0, 1, 1], [], []>, transpose_lhs_hint = false} : vector<400x128xf32>, vector<128x256xf32>, vector<400x256xf32> -> vector<400x256xf32>
      %get3A_13 = arith.constant 0 : index
      %get3A_14 = arith.constant 0 : index
      %get3A_15 = vector.load %arg3[%get3A_13, %get3A_14] : memref<400x128xf32, #tpu.memory_space<vmem>>, vector<400x128xf32>
      %get3A_16 = arith.constant 0 : index
      %get3A_17 = arith.constant 0 : index
      %get3A_18 = vector.load %arg6[%get3A_16, %get3A_17] : memref<128x256xf32, #tpu.memory_space<vmem>>, vector<128x256xf32>
      %dot_general3A_19 = arith.constant dense<0.000000e+00> : vector<400x256xf32>
      %dot_general3A_20 = tpu.matmul %get3A_15, %get3A_18, %dot_general3A_19 {dimension_numbers = #tpu.dot_dimension_numbers<[1], [0], [0], [1], [0, 0, 1, 1], [], []>, transpose_lhs_hint = false} : vector<400x128xf32>, vector<128x256xf32>, vector<400x256xf32> -> vector<400x256xf32>
      %add3A = arith.addf %dot_general3A_12, %dot_general3A_20 : vector<400x256xf32>
      %get3A_21 = arith.constant 0 : index
      %get3A_22 = arith.constant 0 : index
      %get3A_23 = vector.load %arg4[%get3A_21, %get3A_22] : memref<400x256xf32, #tpu.memory_space<vmem>>, vector<400x256xf32>
      %get3A_24 = arith.constant 0 : index
      %get3A_25 = arith.constant 0 : index
      %get3A_26 = vector.load %arg7[%get3A_24, %get3A_25] : memref<256x256xf32, #tpu.memory_space<vmem>>, vector<256x256xf32>
      %dot_general3A_27 = arith.constant dense<0.000000e+00> : vector<400x256xf32>
      %dot_general3A_28 = tpu.matmul %get3A_23, %get3A_26, %dot_general3A_27 {dimension_numbers = #tpu.dot_dimension_numbers<[1], [0], [0], [1], [0, 0, 1, 1], [], []>, transpose_lhs_hint = false} : vector<400x256xf32>, vector<256x256xf32>, vector<400x256xf32> -> vector<400x256xf32>
      %add3A_29 = arith.addf %add3A, %dot_general3A_28 : vector<400x256xf32>
      %get3A_30 = arith.constant 0 : index
      %get3A_31 = arith.constant 0 : index
      %get3A_32 = vector.load %arg8[%get3A_30, %get3A_31] : memref<1x256xf32, #tpu.memory_space<vmem>>, vector<1x256xf32>
      %add3A_33 = vector.broadcast %get3A_32 : vector<1x256xf32> to vector<400x256xf32>
      %add3A_34 = arith.addf %add3A_29, %add3A_33 : vector<400x256xf32>
      %mul3A = arith.constant 400 : i32
      %mul3A_35 = arith.muli %arg1, %mul3A : i32
      %swap3A = arith.index_cast %mul3A_35 : i32 to index
      %swap3A_36 = arith.constant 0 : index
      %swap3A_37 = vector.load %arg12[%swap3A, %swap3A_36] : memref<10000x256xf32, #tpu.memory_space<vmem>>, vector<400x256xf32>
      tpu.vector_store %arg12[%swap3A, %swap3A_36], %add3A_34 {strides = array<i32>} : memref<10000x256xf32, #tpu.memory_space<vmem>>, vector<400x256xf32>,
      %reduce_sum3A = arith.constant dense<0.000000e+00> : vector<256xf32>
      %reduce_sum3A_38 = vector.multi_reduction <add>, %add3A_34, %reduce_sum3A [0] : vector<400x256xf32> to vector<256xf32>
      %broadcast_in_dim3A = vector.shape_cast %reduce_sum3A_38 : vector<256xf32> to vector<1x256xf32>
      %mul3A_39 = arith.mulf %add3A_34, %add3A_34 : vector<400x256xf32>
      %reduce_sum3A_40 = arith.constant dense<0.000000e+00> : vector<256xf32>
      %reduce_sum3A_41 = vector.multi_reduction <add>, %mul3A_39, %reduce_sum3A_40 [0] : vector<400x256xf32> to vector<256xf32>
      %broadcast_in_dim3A_42 = vector.shape_cast %reduce_sum3A_41 : vector<256xf32> to vector<1x256xf32>
      %eq3A_43 = arith.constant 0 : i32
      %eq3A_44 = arith.cmpi eq, %arg1, %eq3A_43 : i32
      %convert_element_type3A_45 = arith.extui %eq3A_44 : i1 to i32
      %cond3A_46 = arith.constant 0 : i32
      %cond3A_47 = arith.cmpi ne, %convert_element_type3A_45, %cond3A_46 : i32
      scf.if %cond3A_47 {
        %swap3A_52 = arith.constant 0 : index
        %swap3A_53 = arith.constant 0 : index
        %swap3A_54 = vector.load %arg13[%swap3A_52, %swap3A_53] : memref<1x256xf32, #tpu.memory_space<vmem>>, vector<1x256xf32>
        tpu.vector_store %arg13[%swap3A_52, %swap3A_53], %broadcast_in_dim3A {strides = array<i32>} : memref<1x256xf32, #tpu.memory_space<vmem>>, vector<1x256xf32>,
        %swap3A_55 = arith.constant 0 : index
        %swap3A_56 = arith.constant 0 : index
        %swap3A_57 = vector.load %arg14[%swap3A_55, %swap3A_56] : memref<1x256xf32, #tpu.memory_space<vmem>>, vector<1x256xf32>
        tpu.vector_store %arg14[%swap3A_55, %swap3A_56], %broadcast_in_dim3A_42 {strides = array<i32>} : memref<1x256xf32, #tpu.memory_space<vmem>>, vector<1x256xf32>,
      } else {
      }
      %gt3A = arith.constant 0 : i32
      %gt3A_48 = arith.cmpi sgt, %arg1, %gt3A : i32
      %convert_element_type3A_49 = arith.extui %gt3A_48 : i1 to i32
      %cond3A_50 = arith.constant 0 : i32
      %cond3A_51 = arith.cmpi ne, %convert_element_type3A_49, %cond3A_50 : i32
      scf.if %cond3A_51 {
        %get3A_52 = arith.constant 0 : index
        %get3A_53 = arith.constant 0 : index
        %get3A_54 = vector.load %arg13[%get3A_52, %get3A_53] : memref<1x256xf32, #tpu.memory_space<vmem>>, vector<1x256xf32>
        %add3A_55 = arith.addf %get3A_54, %broadcast_in_dim3A : vector<1x256xf32>
        %swap3A_56 = arith.constant 0 : index
        %swap3A_57 = arith.constant 0 : index
        %swap3A_58 = vector.load %arg13[%swap3A_56, %swap3A_57] : memref<1x256xf32, #tpu.memory_space<vmem>>, vector<1x256xf32>
        tpu.vector_store %arg13[%swap3A_56, %swap3A_57], %add3A_55 {strides = array<i32>} : memref<1x256xf32, #tpu.memory_space<vmem>>, vector<1x256xf32>,
        %get3A_59 = arith.constant 0 : index
        %get3A_60 = arith.constant 0 : index
        %get3A_61 = vector.load %arg14[%get3A_59, %get3A_60] : memref<1x256xf32, #tpu.memory_space<vmem>>, vector<1x256xf32>
        %add3A_62 = arith.addf %get3A_61, %broadcast_in_dim3A_42 : vector<1x256xf32>
        %swap3A_63 = arith.constant 0 : index
        %swap3A_64 = arith.constant 0 : index
        %swap3A_65 = vector.load %arg14[%swap3A_63, %swap3A_64] : memref<1x256xf32, #tpu.memory_space<vmem>>, vector<1x256xf32>
        tpu.vector_store %arg14[%swap3A_63, %swap3A_64], %add3A_62 {strides = array<i32>} : memref<1x256xf32, #tpu.memory_space<vmem>>, vector<1x256xf32>,
      } else {
      }
    } else {
    }
    %eq3A_2 = arith.constant 1 : i32
    %eq3A_3 = arith.cmpi eq, %arg0, %eq3A_2 : i32
    %convert_element_type3A_4 = arith.extui %eq3A_3 : i1 to i32
    %cond3A_5 = arith.constant 0 : i32
    %cond3A_6 = arith.cmpi ne, %convert_element_type3A_4, %cond3A_5 : i32
    scf.if %cond3A_6 {
      %eq3A_7 = arith.constant 0 : i32
      %eq3A_8 = arith.cmpi eq, %arg1, %eq3A_7 : i32
      %convert_element_type3A_9 = arith.extui %eq3A_8 : i1 to i32
      %cond3A_10 = arith.constant 0 : i32
      %cond3A_11 = arith.cmpi ne, %convert_element_type3A_9, %cond3A_10 : i32
      scf.if %cond3A_11 {
        %get3A_28 = arith.constant 0 : index
        %get3A_29 = arith.constant 0 : index
        %get3A_30 = vector.load %arg13[%get3A_28, %get3A_29] : memref<1x256xf32, #tpu.memory_space<vmem>>, vector<1x256xf32>
        %div3A = arith.constant 1.000000e+04 : f32
        %div3A_31 = vector.broadcast %div3A : f32 to vector<1x256xf32>
        %div3A_32 = arith.divf %get3A_30, %div3A_31 : vector<1x256xf32>
        %get3A_33 = arith.constant 0 : index
        %get3A_34 = arith.constant 0 : index
        %get3A_35 = vector.load %arg14[%get3A_33, %get3A_34] : memref<1x256xf32, #tpu.memory_space<vmem>>, vector<1x256xf32>
        %div3A_36 = arith.constant 1.000000e+04 : f32
        %div3A_37 = vector.broadcast %div3A_36 : f32 to vector<1x256xf32>
        %div3A_38 = arith.divf %get3A_35, %div3A_37 : vector<1x256xf32>
        %mul3A_39 = arith.mulf %div3A_32, %div3A_32 : vector<1x256xf32>
        %sub3A = arith.subf %div3A_38, %mul3A_39 : vector<1x256xf32>
        %get3A_40 = arith.constant 0 : index
        %get3A_41 = arith.constant 0 : index
        %get3A_42 = vector.load %arg9[%get3A_40, %get3A_41] : memref<1x256xf32, #tpu.memory_space<vmem>>, vector<1x256xf32>
        %add3A_43 = arith.constant 9.99999974E-6 : f32
        %add3A_44 = vector.broadcast %add3A_43 : f32 to vector<1x256xf32>
        %add3A_45 = arith.addf %sub3A, %add3A_44 : vector<1x256xf32>
        %rsqrt3A = math.rsqrt %add3A_45 : vector<1x256xf32>
        %mul3A_46 = arith.mulf %get3A_42, %rsqrt3A : vector<1x256xf32>
        %swap3A_47 = arith.constant 0 : index
        %swap3A_48 = arith.constant 0 : index
        %swap3A_49 = vector.load %arg15[%swap3A_47, %swap3A_48] : memref<1x256xf32, #tpu.memory_space<vmem>>, vector<1x256xf32>
        tpu.vector_store %arg15[%swap3A_47, %swap3A_48], %mul3A_46 {strides = array<i32>} : memref<1x256xf32, #tpu.memory_space<vmem>>, vector<1x256xf32>,
        %get3A_50 = arith.constant 0 : index
        %get3A_51 = arith.constant 0 : index
        %get3A_52 = vector.load %arg10[%get3A_50, %get3A_51] : memref<1x256xf32, #tpu.memory_space<vmem>>, vector<1x256xf32>
        %mul3A_53 = arith.mulf %div3A_32, %mul3A_46 : vector<1x256xf32>
        %sub3A_54 = arith.subf %get3A_52, %mul3A_53 : vector<1x256xf32>
        %swap3A_55 = arith.constant 0 : index
        %swap3A_56 = arith.constant 0 : index
        %swap3A_57 = vector.load %arg16[%swap3A_55, %swap3A_56] : memref<1x256xf32, #tpu.memory_space<vmem>>, vector<1x256xf32>
        tpu.vector_store %arg16[%swap3A_55, %swap3A_56], %sub3A_54 {strides = array<i32>} : memref<1x256xf32, #tpu.memory_space<vmem>>, vector<1x256xf32>,
      } else {
      }
      %mul3A = arith.constant 400 : i32
      %mul3A_12 = arith.muli %arg1, %mul3A : i32
      %get3A = arith.index_cast %mul3A_12 : i32 to index
      %get3A_13 = arith.constant 0 : index
      %get3A_14 = vector.load %arg12[%get3A, %get3A_13] : memref<10000x256xf32, #tpu.memory_space<vmem>>, vector<400x256xf32>
      %get3A_15 = arith.constant 0 : index
      %get3A_16 = arith.constant 0 : index
      %get3A_17 = vector.load %arg15[%get3A_15, %get3A_16] : memref<1x256xf32, #tpu.memory_space<vmem>>, vector<1x256xf32>
      %mul3A_18 = vector.broadcast %get3A_17 : vector<1x256xf32> to vector<400x256xf32>
      %mul3A_19 = arith.mulf %get3A_14, %mul3A_18 : vector<400x256xf32>
      %get3A_20 = arith.constant 0 : index
      %get3A_21 = arith.constant 0 : index
      %get3A_22 = vector.load %arg16[%get3A_20, %get3A_21] : memref<1x256xf32, #tpu.memory_space<vmem>>, vector<1x256xf32>
      %add3A = vector.broadcast %get3A_22 : vector<1x256xf32> to vector<400x256xf32>
      %add3A_23 = arith.addf %mul3A_19, %add3A : vector<400x256xf32>
      %max3A = arith.constant 0.000000e+00 : f32
      %max3A_24 = vector.broadcast %max3A : f32 to vector<400x256xf32>
      %max3A_25 = arith.maximumf %add3A_23, %max3A_24 : vector<400x256xf32>
      %swap3A = arith.constant 0 : index
      %swap3A_26 = arith.constant 0 : index
      %swap3A_27 = vector.load %arg11[%swap3A, %swap3A_26] : memref<400x256xf32, #tpu.memory_space<vmem>>, vector<400x256xf32>
      tpu.vector_store %arg11[%swap3A, %swap3A_26], %max3A_25 {strides = array<i32>} : memref<400x256xf32, #tpu.memory_space<vmem>>, vector<400x256xf32>,
    } else {
    }
    return
  }
  func.func @transform_0(%arg0: i32, %arg1: i32) -> (i32, i32) {
    %eq3A = arith.constant 0 : i32
    %eq3A_0 = arith.cmpi eq, %arg0, %eq3A : i32
    %jit3A = arith.constant 0 : i32
    %select_n3A = arith.select %eq3A_0, %arg1, %jit3A : i32
    %c0_i32 = arith.constant 0 : i32
    %c0_i32_1 = arith.constant 0 : i32
    return %select_n3A, %c0_i32 : i32, i32
  }
  func.func @transform_1(%arg0: i32, %arg1: i32) -> (i32, i32) {
    %eq3A = arith.constant 0 : i32
    %eq3A_0 = arith.cmpi eq, %arg0, %eq3A : i32
    %jit3A = arith.constant 0 : i32
    %select_n3A = arith.select %eq3A_0, %arg1, %jit3A : i32
    %c0_i32 = arith.constant 0 : i32
    %c0_i32_1 = arith.constant 0 : i32
    return %select_n3A, %c0_i32 : i32, i32
  }
  func.func @transform_2(%arg0: i32, %arg1: i32) -> (i32, i32) {
    %eq3A = arith.constant 0 : i32
    %eq3A_0 = arith.cmpi eq, %arg0, %eq3A : i32
    %jit3A = arith.constant 0 : i32
    %select_n3A = arith.select %eq3A_0, %arg1, %jit3A : i32
    %c0_i32 = arith.constant 0 : i32
    %c0_i32_1 = arith.constant 0 : i32
    return %select_n3A, %c0_i32 : i32, i32
  }
  func.func @transform_3(%arg0: i32, %arg1: i32) -> (i32, i32) {
    %c0_i32 = arith.constant 0 : i32
    %c0_i32_0 = arith.constant 0 : i32
    %c0_i32_1 = arith.constant 0 : i32
    return %c0_i32, %c0_i32_0 : i32, i32
  }
  func.func @transform_4(%arg0: i32, %arg1: i32) -> (i32, i32) {
    %c0_i32 = arith.constant 0 : i32
    %c0_i32_0 = arith.constant 0 : i32
    %c0_i32_1 = arith.constant 0 : i32
    return %c0_i32, %c0_i32_0 : i32, i32
  }
  func.func @transform_5(%arg0: i32, %arg1: i32) -> (i32, i32) {
    %c0_i32 = arith.constant 0 : i32
    %c0_i32_0 = arith.constant 0 : i32
    %c0_i32_1 = arith.constant 0 : i32
    return %c0_i32, %c0_i32_0 : i32, i32
  }
  func.func @transform_6(%arg0: i32, %arg1: i32) -> (i32, i32) {
    %c0_i32 = arith.constant 0 : i32
    %c0_i32_0 = arith.constant 0 : i32
    %c0_i32_1 = arith.constant 0 : i32
    return %c0_i32, %c0_i32_0 : i32, i32
  }
  func.func @transform_7(%arg0: i32, %arg1: i32) -> (i32, i32) {
    %c0_i32 = arith.constant 0 : i32
    %c0_i32_0 = arith.constant 0 : i32
    %c0_i32_1 = arith.constant 0 : i32
    return %c0_i32, %c0_i32_0 : i32, i32
  }
  func.func @transform_8(%arg0: i32, %arg1: i32) -> (i32, i32) {
    %c0_i32 = arith.constant 0 : i32
    %c0_i32_0 = arith.constant 0 : i32
    %c0_i32_1 = arith.constant 0 : i32
    return %c0_i32, %c0_i32_0 : i32, i32
  }
  func.func @transform_9(%arg0: i32, %arg1: i32) -> (i32, i32) {
    %eq3A = arith.constant 1 : i32
    %eq3A_0 = arith.cmpi eq, %arg0, %eq3A : i32
    %jit3A = arith.constant 0 : i32
    %select_n3A = arith.select %eq3A_0, %arg1, %jit3A : i32
    %c0_i32 = arith.constant 0 : i32
    %c0_i32_1 = arith.constant 0 : i32
    return %select_n3A, %c0_i32 : i32, i32
  }
}

</mosaic_0001>

<sc_bundles>
// kernel: kernel.4.cloned.1.call-start
scs
__scs_entry_jumppad:
0x0: {  	(pc) =	sbr.rel $0x88, $3  }
0x1: {  	(tag) =	ssettag $0x0;
	lr =	simm.s32 $0x1  }
0x2: {  	[smem:$0x3F9A] =	sst lr;
	_ =	strace $0xD0000000  }
0x3: {  	_ = 	snop  }
0x4: {  	_ = 	snop  }
0x5: {  	_ = 	snop  }
0x6: {  	_ = 	snop  }
0x7: {  	_ = 	snop  }
__scs_overlays_trampoline_lowered:
0x8: {  	[smem:$0x3FA9] =	sst s0  }
0x9: {  	[smem:$0x3FAA] =	sst s1  }
0xa: {  	[smem:$0x3FAB] =	sst s2  }
0xb: {  	[smem:$0x3FAC] =	sst s3  }
0xc: {  	[smem:$0x3FAD] =	sst s4  }
0xd: {  	[smem:$0x3FAE] =	sst s5  }
0xe: {  	[smem:$0x3FAF] =	sst s6  }
0xf: {  	[smem:$0x3FB0] =	sst s7  }
0x10: {  	[smem:$0x3FB1] =	sst s8  }
0x11: {  	[smem:$0x3FB2] =	sst s9;
	s0 =	simm.s32 @!p0 $0x0  }
0x12: {  	s1 =	sld [smem:$0x3F98];
	s0 =	simm.s32 @p0 $0x1  }
0x13: {  	[smem:$0x3FB3] =	sst s0;
	s0 =	simm.s32 @!p1 $0x0  }
0x14: {  	s2 =	sld [smem:$0x3F97];
	s0 =	simm.s32 @p1 $0x1  }
0x15: {  	[smem:$0x3FB4] =	sst s0;
	s0 =	simm.s32 @!p2 $0x0  }
0x16: {  	s3 =	sld [smem:$0x3FDB];
	s0 =	simm.s32 @p2 $0x1  }
0x17: {  	s4 =	simm.s32 $0x1BF5;
	[smem:$0x3FB6] =	sst s0  }
0x18: {  	s0 =	sld [smem:$0x3F99];
	_ =	swait.ge [sflag:s4], $0x0  }
0x19: {  	s7 =	sld [smem:$0x3F9A]  }
0x1a: {  	s8 =	sadd.s32 $0xFFFFE003, lr  }
0x1b: {  	s9 =	sadd.s32 $0xFFFFFEF7, lr;
	s5 =	simm.s32 $0xFFFFFFFF;
	p2 =	slt.u32 s8, $0xFFFFF086  }
0x1c: {  	p1 =	slt.u32 s9, $0xF7A;
	s5 =	simm.s32 @!p2 $0x0  }
0x1d: {  	s5 =	simm.s32 @p1 $0x1;
	p0 =	seq.s32 s7, s2  }
0x1e: {  	s7 =	smul.u32 @!p0 $0xF7A, s2;
	p2 =	seq.s32 @!p0 s5, $0x0  }
0x1f: {  	s9 =	smul.u32 $0xF7A, s1;
	s8 =	simm.s32 @!p0 $0x1BF5;
	p2 =	por !p2, p0  }
0x20: {  	[sflag:s8] =	ssyncset.s32 @!p0 $0xFFFFF086;
	s6 =	sadd.s32 @!p0 s3, s7;
	s7 =	simm.s32 @!p0 $0x108  }
0x21: {  	s3 =	sadd.s32 s3, s9;
	s6 =	sadd.s32 @!p0 $0x88, s6;
	s7 =	simm.s32 @p2 $0x1082  }
0x22: {  	[simem:s7], [sflag:s8] =	dma.local @!p0 [hbm:s6], $0xF7A  }
0x23: {  	s9 =	sor.u32 $0xD0000000, s2;
	s6 =	simm.s32 $0x108;
	_ =	swait.ge @!p0 [sflag:s8], $0x0  }
0x24: {  	s3 =	sadd.s32 $0x88, s3;
	s6 =	simm.s32 @!p1 $0x1082;
	[sflag:s4] =	ssyncset.s32 $0xFFFFF086  }
0x25: {  	[simem:s6], [sflag:s4] =	dma.local [hbm:s3], $0xF7A  }
0x26: {  	[smem:$0x3F9A] =	sst s1;
	(tag) =	ssettag s2;
	_ =	strace s9  }
0x27: {  	s1 =	sld [smem:$0x3FAA]  }
0x28: {  	s2 =	sld [smem:$0x3FAB]  }
0x29: {  	s4 =	sld [smem:$0x3FAD]  }
0x2a: {  	p0 =	seq.s32 s5, $0x0;
	s5 =	sld [smem:$0x3FAE]  }
0x2b: {  	s6 =	sld [smem:$0x3FAF]  }
0x2c: {  	s7 =	sld [smem:$0x3FB0]  }
0x2d: {  	s3 =	simm.s32 $0x108;
	s8 =	sld [smem:$0x3FB1]  }
0x2e: {  	s3 =	simm.s32 @!p0 $0x1082;
	s9 =	sld [smem:$0x3FB2]  }
0x2f: {  	lr =	sadd.s32 s0, s3;
	s0 =	sld [smem:$0x3FA9]  }
0x30: {  	s3 =	sld [smem:$0x3FAC]  }
0x31: {  	[smem:$0x3FB5] =	sst s10  }
0x32: {  	s10 =	sld [smem:$0x3FB3];
	_ =	sdelay $0x3  }
0x33: {  	p0 =	seq.s32 s10, $0x1;
	s10 =	sld [smem:$0x3FB5];
	_ =	sdelay $0x3  }
0x34: {  	[smem:$0x3FB5] =	sst s10  }
0x35: {  	s10 =	sld [smem:$0x3FB4];
	_ =	sdelay $0x3  }
0x36: {  	p1 =	seq.s32 s10, $0x1;
	s10 =	sld [smem:$0x3FB5];
	_ =	sdelay $0x3  }
0x37: {  	[smem:$0x3FB5] =	sst s10  }
0x38: {  	s10 =	sld [smem:$0x3FB6]  }
0x39: {  	_ = 	snop;
	(pc) =	sbr.ind lr, $3  }
0x3a: {  	_ = 	snop  }
0x3b: {  	_ = 	snop  }
0x3c: {  	p2 =	seq.s32 s10, $0x1;
	s10 =	sld [smem:$0x3FB5]  }
0x3d: {  	_ =	shalt  }
0x3e: {  	_ =	shalt  }
0x3f: {  	_ =	shalt  }
0x40: {  	_ =	shalt  }
0x41: {  	_ =	shalt  }
0x42: {  	_ =	shalt  }
0x43: {  	_ =	shalt  }
0x44: {  	_ =	shalt  }
0x45: {  	_ =	shalt  }
0x46: {  	_ =	shalt  }
0x47: {  	_ =	shalt  }
0x48: {  	_ =	shalt  }
0x49: {  	_ =	shalt  }
0x4a: {  	_ =	shalt  }
0x4b: {  	_ =	shalt  }
0x4c: {  	_ =	shalt  }
0x4d: {  	_ =	shalt  }
0x4e: {  	_ =	shalt  }
0x4f: {  	_ =	shalt  }
0x50: {  	_ =	shalt  }
0x51: {  	_ =	shalt  }
0x52: {  	_ =	shalt  }
0x53: {  	_ =	shalt  }
0x54: {  	_ =	shalt  }
0x55: {  	_ =	shalt  }
0x56: {  	_ =	shalt  }
0x57: {  	_ =	shalt  }
0x58: {  	_ =	shalt  }
0x59: {  	_ =	shalt  }
0x5a: {  	_ =	shalt  }
0x5b: {  	_ =	shalt  }
0x5c: {  	_ =	shalt  }
0x5d: {  	_ =	shalt  }
0x5e: {  	_ =	shalt  }
0x5f: {  	_ =	shalt  }
0x60: {  	_ =	shalt  }
0x61: {  	_ =	shalt  }
0x62: {  	_ =	shalt  }
0x63: {  	_ =	shalt  }
0x64: {  	_ =	shalt  }
0x65: {  	_ =	shalt  }
0x66: {  	_ =	shalt  }
0x67: {  	_ =	shalt  }
0x68: {  	_ =	shalt  }
0x69: {  	_ =	shalt  }
0x6a: {  	_ =	shalt  }
0x6b: {  	_ =	shalt  }
0x6c: {  	_ =	shalt  }
0x6d: {  	_ =	shalt  }
0x6e: {  	_ =	shalt  }
0x6f: {  	_ =	shalt  }
0x70: {  	_ =	shalt  }
0x71: {  	_ =	shalt  }
0x72: {  	_ =	shalt  }
0x73: {  	_ =	shalt  }
0x74: {  	_ =	shalt  }
0x75: {  	_ =	shalt  }
0x76: {  	_ =	shalt  }
0x77: {  	_ =	shalt  }
0x78: {  	_ =	shalt  }
0x79: {  	_ =	shalt  }
0x7a: {  	_ =	shalt  }
0x7b: {  	_ =	shalt  }
0x7c: {  	_ =	shalt  }
0x7d: {  	_ =	shalt  }
0x7e: {  	_ =	shalt  }
0x7f: {  	_ =	shalt  }
0x80: {  	_ =	shalt  }
0x81: {  	_ =	shalt  }
0x82: {  	_ =	shalt  }
0x83: {  	_ =	shalt  }
0x84: {  	_ =	shalt  }
0x85: {  	_ =	shalt  }
0x86: {  	_ =	shalt  }
0x87: {  	_ =	shalt  }
.Lfunc_end0:
.L_simem_size_0:
called_computation_lowered:
.L_overlay_start_0:
0x88: {  	s2 =	sld [smem:$0x3FD9]  }
0x89: {  	s3 =	sld [smem:$0x3FFE];
	_ =	sdelay $0x1  }
0x8a: {  	s1 =	srdreg.scid  }
0x8b: {  	s0 =	sand.u32 $0x1, s1  }
0x8c: {  	s17 =	sshll.u32 s0, $0xA;
	s2 =	sadd.s32 s3, s2  }
0x8d: {  	s2 =	sadd.s32 s2, s17  }
0x8e: {  	[smem:$0x3FC1] =	sst s2  }
0x8f: {  	_ = 	snop  }
0x90: {  	s2 =	sld [smem:$0x3FD0];
	(tm) =	ssettm $0x1  }
0x91: {  	s18 =	sld [smem:$0x3FFB];
	_ =	sdelay $0x3  }
0x92: {  	_ =	strace s18  }
0x93: {  	s3 =	sld [smem:$0x3FFC];
	_ =	sdelay $0x3  }
0x94: {  	_ =	strace s3  }
0x95: {  	s3 =	sld [smem:$0x3FFD];
	_ =	sdelay $0x3  }
0x96: {  	_ =	strace s3  }
0x97: {  	_ =	strace $0x8FFFFFFF  }
0x98: {  	s19 =	sld [smem:$0x3FDB];
	_ =	sdelay $0x1  }
0x99: {  	s4 =	simm.s32 $_scs_section_size  }
0x9a: {  	s5 =	simm.s32 $_size__tile_overlayer_lowered;
	s6 =	simm.s32 $_tile_overlayer_lowered  }
0x9b: {  	s22 =	simm.s32 $0x1BFF;
	s21 =	sshll.u32 s6, $0x1;
	s3 =	sadd.s32 s4, s19  }
0x9c: {  	s7 =	simm.s32 $0x0;
	s20 =	sshll.u32 s5, $0x1;
	s5 =	sadd.s32 s21, s3  }
0x9d: {  	[timem:s7], [sflag:s22] =	dma.local [hbm:s5], s20  }
0x9e: {  	_ =	swait.ge [sflag:s22], s20  }
0x9f: {  	s4 =	ssub.s32 $0x0, s20;
	[sflag:s22] =	ssyncset.done $0x0  }
0xa0: {  	[sflag:s22] =	ssyncadd.s32 s4;
	_ =	sdelay $0x1  }
0xa1: {  	s23 =	simm.s32 $0x1B8B  }
0xa2: {  	_ =	swait.ge [sflag:s23], $0x1  }
0xa3: {  	[sflag:s23] =	ssyncset.done $0x0  }
0xa4: {  	s25 =	simm.s32 $0x1B8E;
	s24 =	sld [smem:$0x3FFE];
	[sflag:s23] =	ssyncadd.s32 $0xFFFFFFFF  }
0xa5: {  	s26 =	simm.s32 $execute0_lowered;
	[smem:$0x3FD2] =	sst s25  }
0xa6: {  	s5 =	sshll.u32 s26, $0x1;
	_ =	strace $0x80000046;
	[dreg:$0x1] =	wrdreg $0xFFFFFFFF  }
0xa7: {  	s28 =	simm.s32 $_size_execute0_lowered;
	s3 =	sadd.s32 s3, s5;
	[dreg:$0x0] =	wrdreg $0x0  }
0xa8: {  	s5 =	sshll.u32 s28, $0x1;
	[dreg:$0x2] =	wrdreg s3  }
0xa9: {  	[dreg:$0x3] =	wrdreg s5  }
0xaa: {  	[dreg:$0x4] =	wrdreg $0xC0  }
0xab: {  	_ =	task [dreg:s7], $0x5FFFF  }
0xac: {  	[dreg:$0x1] =	wrdreg $0xFFFFFFFF  }
0xad: {  	[dreg:$0x0] =	wrdreg $0x60  }
0xae: {  	[dreg:$0x2] =	wrdreg s24  }
0xaf: {  	[dreg:$0x3] =	wrdreg s2  }
0xb0: {  	[dreg:$0x4] =	wrdreg $0x90000  }
0xb1: {  	[dreg:$0x5] =	wrdreg $0x9  }
0xb2: {  	_ =	task.clear_ibuf [dreg:s7], $0x6FFFF;
	_ =	strace $0x90000046  }
0xb3: {  	s29 =	simm.s32 $0x9;
	_ =	strace $0x80000048  }
0xb4: {  	_ =	swait.ge [sflag:s29], $0x1  }
0xb5: {  	[sflag:s29] =	ssyncadd.s32 $0xFFFFFFFF  }
0xb6: {  	_ =	strace $0x90000048  }
0xb7: {  	_ =	sfence  }
0xb8: {  	s30 =	sld [smem:$0x0];
	_ =	sdelay $0x2  }
0xb9: {  	s31 =	sshll.u32 s1, $0xD;
	s1 =	sshrl.u32 s1, $0x2  }
0xba: {  	s3 =	sand.u32 $0x4000, s31;
	s1 =	sadd.s32 s1, s30  }
0xbb: {  	s0 =	sor.u32 s3, s0;
	s1 =	sshll.u32 s1, $0x11  }
0xbc: {  	s0 =	sor.u32 s1, s0  }
0xbd: {  	s0 =	sadd.s32 $0x8F2B, s0  }
0xbe: {  	[sflag:s0] =	ssyncadd.remote.s32 $0x1  }
0xbf: {  	_ =	sfence.sel $0xFFFF  }
0xc0: {  	[dreg:$0x0] =	wrdreg $0xFFFFFFFF;
	(pc) =	sbr.abs _section_cstart, $3  }
0xc1: {  	[dreg:$0x1] =	wrdreg $0xFFFFFFFF  }
0xc2: {  	_ =	task.clear_ibuf [dreg:s7], $0x2FFFF;
	_ =	strace $0x9FFFFFFF  }
0xc3: {  	(tm) =	ssettm $0x7FFFFFFF  }
tec
execute0_lowered:
.L_overlay_start_1:
0x0: {  	(tag) =	ssettag $0x1  }
0x1: {  	s7 =	rddreg [dreg:$0x0]  }
0x2: {  	s1 =	rddreg [dreg:$0x1]  }
0x3: {  	s3 =	rddreg [dreg:$0x2]  }
0x4: {  	s0 =	rddreg [dreg:$0x3];
	s4 =	simm.s32 $0x0  }
0x5: {  	s2 =	stileid.u32;
	s9 =	srdreg.scid;
	s22 =	simm.s32 $0x2  }
0x6: {  	s23 =	simm.s32 $0x2800;
	s24 =	simm.s32 $0x80;
	s8 =	smul.u32 $0x500, s2  }
0x7: {  	s25 =	simm.s32 $0x1;
	s26 =	simm.s32 $0x0;
	s10 =	smul.u32 $0x280, s2  }
0x8: {  	[smem:$0x7FF] =	sst s4;
	s5 =	sadd.s32 $0x28E00, s7;
	s28 =	smul.u32 $0x50000, s2  }
0x9: {  	s6 =	sadd.s32 $0x1C00, s7;
	s21 =	sand.u32 $0x1, s9;
	s15 =	smul.u32 $0x2800, s2  }
0xa: {  	_ =	strace $0x80000047;
	s9 =	ssub.s32 $0x2, s21;
	p0 =	sne.s32 s21, $0x0  }
0xb: {  	s21 =	simm.s32 $0x5000;
	s14 =	sadd.s32 s8, s7;
	s7 =	sadd.s32 $0x5A000, s7  }
0xc: {  	s16 =	sadd.s32 $0x80, s10;
	s11 =	sshrl.u32 s9, $0x1;
	s8 =	sshrl.u32 s28, $0x2  }
0xd: {  	s17 =	sadd.s32 $0x100, s10;
	s18 =	sadd.s32 $0x180, s10;
	s19 =	sadd.s32 $0x200, s10  }
0xe: {  	s12 =	sshll.u32 s16, $0x7;
	s20 =	ssub.s32 s9, s11;
	s8 =	sadd.s32 s8, s3  }
.Ltmp0:
0xf: {  	s29 =	sshll.u32 s17, $0x7;
	s30 =	sshll.u32 s18, $0x7;
	(pc) =	sbr.rel .LBB2_1-.Ltmp0, $4  }
0x10: {  	s31 =	sshll.u32 s19, $0x7;
	s13 =	sadd.s32 $0x50000, s14;
	s14 =	sadd.s32 $0x55000, s14  }
0x11: {  	s16 =	sshll.u32 s16, $0x4;
	s17 =	sshll.u32 s17, $0x4;
	s18 =	sshll.u32 s18, $0x4  }
0x12: {  	s19 =	sshll.u32 s19, $0x4;
	s9 =	sadd.s32 s12, s3;
	s10 =	sadd.s32 s29, s3  }
0x13: {  	v0 =	vimm.f32 $0.0e+00;
	s11 =	sadd.s32 s30, s3;
	s12 =	sadd.s32 s31, s3;
	s20 =	smax.u32 s20, $0x1  }
.LBB2_9:
0x14: {  	s28 =	sshra.s32 s28, $0x2;
	[sflag:s22] =	ssyncadd.s32 $0xFFFFC000  }
0x15: {  	[tilespmem:s21], [sflag:$0x1] =	stream.indirect.gather [hbm4b:s6+s24], $0x80, s28, s24, $0xb8;
	[tilespmem:$0x1D000] =	vst v63  }
0x16: {  	_ =	swait.ge [sflag:s25], $0x4000  }
0x17: {  	[sflag:s25] =	ssyncset.done $0x0  }
0x18: {  	s28 =	sadd.s32 $0x2800, s28;
	[sflag:s25] =	ssyncadd.s32 $0xFFFFC000  }
0x19: {  	[spmem:s3] =	stream.indirect.scatter.add.f32 [tilespmem:s21], [sflag:$0x2], $0x80, s28, s24, $0xb8;
	[tilespmem:$0x1D000] =	vst v63  }
0x1a: {  	_ =	swait.ge [sflag:s22], $0x4000  }
0x1b: {  	[sflag:s22] =	ssyncset.done $0x0  }
0x1c: {  	s28 =	smov.u32 s7;
	[sflag:s22] =	ssyncadd.s32 $0xFFFFC000  }
.LBB2_10:
0x1d: {  	[bflag:$0x0] =	sbarrier.arrive $0xFFFF  }
0x1e: {  	[tilespmem:s21], [sflag:$0x2] =	stream.linear.gather [spmem:s8], $0x4000, $0x38;
	[tilespmem:$0x1D000] =	vst v63  }
0x1f: {  	_ =	swait.ge [sflag:s22], $0x4000  }
0x20: {  	[sflag:s22] =	ssyncset.done $0x0  }
0x21: {  	s29 =	sadd.s32 s28, s15;
	[sflag:s22] =	ssyncadd.s32 $0xFFFFC000  }
0x22: {  	[hbm4b:s29+s4] =	stream.linear.scatter [tilespmem:s21], [sflag:$0x2], $0x4000, $0x38;
	[tilespmem:$0x1D000] =	vst v63  }
0x23: {  	_ =	swait.ge [sflag:s22], $0x4000  }
0x24: {  	[sflag:s22] =	ssyncset.done $0x0  }
0x25: {  	[sflag:s22] =	ssyncadd.s32 $0xFFFFC000  }
0x26: {  	[tilespmem:s21], [sflag:$0x2] =	stream.linear.gather [spmem:s9], $0x4000, $0x38;
	[tilespmem:$0x1D000] =	vst v63  }
0x27: {  	_ =	swait.ge [sflag:s22], $0x4000  }
0x28: {  	[sflag:s22] =	ssyncset.done $0x0  }
0x29: {  	s30 =	sadd.s32 s28, s16;
	[sflag:s22] =	ssyncadd.s32 $0xFFFFC000  }
0x2a: {  	[hbm4b:s30+s4] =	stream.linear.scatter [tilespmem:s21], [sflag:$0x2], $0x4000, $0x38;
	[tilespmem:$0x1D000] =	vst v63  }
0x2b: {  	_ =	swait.ge [sflag:s22], $0x4000  }
0x2c: {  	[sflag:s22] =	ssyncset.done $0x0  }
0x2d: {  	[sflag:s22] =	ssyncadd.s32 $0xFFFFC000  }
0x2e: {  	[tilespmem:s21], [sflag:$0x2] =	stream.linear.gather [spmem:s10], $0x4000, $0x38;
	[tilespmem:$0x1D000] =	vst v63  }
0x2f: {  	_ =	swait.ge [sflag:s22], $0x4000  }
0x30: {  	[sflag:s22] =	ssyncset.done $0x0  }
0x31: {  	s31 =	sadd.s32 s28, s17;
	[sflag:s22] =	ssyncadd.s32 $0xFFFFC000  }
0x32: {  	[hbm4b:s31+s4] =	stream.linear.scatter [tilespmem:s21], [sflag:$0x2], $0x4000, $0x38;
	[tilespmem:$0x1D000] =	vst v63  }
0x33: {  	_ =	swait.ge [sflag:s22], $0x4000  }
0x34: {  	[sflag:s22] =	ssyncset.done $0x0  }
0x35: {  	[sflag:s22] =	ssyncadd.s32 $0xFFFFC000  }
0x36: {  	[tilespmem:s21], [sflag:$0x2] =	stream.linear.gather [spmem:s11], $0x4000, $0x38;
	[tilespmem:$0x1D000] =	vst v63  }
0x37: {  	_ =	swait.ge [sflag:s22], $0x4000  }
0x38: {  	[sflag:s22] =	ssyncset.done $0x0  }
0x39: {  	s30 =	sadd.s32 s28, s18;
	[sflag:s22] =	ssyncadd.s32 $0xFFFFC000  }
0x3a: {  	[hbm4b:s30+s4] =	stream.linear.scatter [tilespmem:s21], [sflag:$0x2], $0x4000, $0x38;
	[tilespmem:$0x1D000] =	vst v63  }
0x3b: {  	_ =	swait.ge [sflag:s22], $0x4000  }
0x3c: {  	[sflag:s22] =	ssyncset.done $0x0  }
0x3d: {  	[sflag:s22] =	ssyncadd.s32 $0xFFFFC000  }
0x3e: {  	[tilespmem:s21], [sflag:$0x2] =	stream.linear.gather [spmem:s12], $0x4000, $0x38;
	[tilespmem:$0x1D000] =	vst v63  }
0x3f: {  	s26 =	sadd.s32 $0x1, s26;
	_ =	swait.ge [sflag:s22], $0x4000  }
0x40: {  	p1 =	sne.s32 s26, s20;
	[sflag:s22] =	ssyncset.done $0x0  }
.Ltmp1:
0x41: {  	s31 =	sadd.s32 s28, s19;
	[sflag:s22] =	ssyncadd.s32 $0xFFFFC000;
	(pc) =	sbr.rel @!p1 .LBB2_11-.Ltmp1, $4  }
0x42: {  	[hbm4b:s31+s4] =	stream.linear.scatter [tilespmem:s21], [sflag:$0x2], $0x4000, $0x38;
	[tilespmem:$0x1D000] =	vst v63  }
0x43: {  	_ =	swait.ge [sflag:s22], $0x4000  }
0x44: {  	[sflag:s22] =	ssyncset.done $0x0  }
0x45: {  	[sflag:s22] =	ssyncadd.s32 $0xFFFFC000  }
.LBB2_1:
0x46: {  	s28 =	simm.s32 $0x0;
	s29 =	simm.s32 $0x200  }
.LBB2_2:
0x47: {  	p1 =	sne.s32 s29, $0xFE00;
	[tilespmem:s28+$0x5070] =	vst v0  }
0x48: {  	[tilespmem:s28+$0x5000] =	vst v0  }
0x49: {  	[tilespmem:s28+$0x5010] =	vst v0  }
.Ltmp2:
0x4a: {  	[tilespmem:s28+$0x5020] =	vst v0;
	(pc) =	sbr.rel @p1 .LBB2_2-.Ltmp2, $4  }
0x4b: {  	[tilespmem:s28+$0x5030] =	vst v0  }
0x4c: {  	[tilespmem:s28+$0x5040] =	vst v0  }
0x4d: {  	[tilespmem:s28+$0x5050] =	vst v0  }
0x4e: {  	[tilespmem:s28+$0x5060] =	vst v0;
	s28 =	sshra.s32 s29, $0x2;
	s29 =	sadd.s32 $0x200, s29  }
0x4f: {  	[tilespmem:s28+$0x5070] =	vst v0  }
0x50: {  	[tilespmem:s28+$0x5000] =	vst v0  }
0x51: {  	[tilespmem:s28+$0x5010] =	vst v0  }
0x52: {  	[tilespmem:s28+$0x5020] =	vst v0  }
0x53: {  	[tilespmem:s28+$0x5030] =	vst v0  }
0x54: {  	[tilespmem:s28+$0x5040] =	vst v0  }
0x55: {  	[tilespmem:s28+$0x5050] =	vst v0  }
0x56: {  	[tilespmem:s28+$0x5060] =	vst v0  }
0x57: {  	[spmem:s8] =	stream.linear.scatter [tilespmem:s21], [sflag:$0x2], $0x4000, $0x38;
	[tilespmem:$0x1D000] =	vst v63  }
0x58: {  	_ =	swait.ge [sflag:s22], $0x4000  }
0x59: {  	[sflag:s22] =	ssyncset.done $0x0  }
0x5a: {  	[sflag:s22] =	ssyncadd.s32 $0xFFFFC000  }
0x5b: {  	[spmem:s9] =	stream.linear.scatter [tilespmem:s21], [sflag:$0x2], $0x4000, $0x38;
	[tilespmem:$0x1D000] =	vst v63  }
0x5c: {  	_ =	swait.ge [sflag:s22], $0x4000  }
0x5d: {  	[sflag:s22] =	ssyncset.done $0x0  }
0x5e: {  	[sflag:s22] =	ssyncadd.s32 $0xFFFFC000  }
0x5f: {  	[spmem:s10] =	stream.linear.scatter [tilespmem:s21], [sflag:$0x2], $0x4000, $0x38;
	[tilespmem:$0x1D000] =	vst v63  }
0x60: {  	_ =	swait.ge [sflag:s22], $0x4000  }
0x61: {  	[sflag:s22] =	ssyncset.done $0x0  }
0x62: {  	[sflag:s22] =	ssyncadd.s32 $0xFFFFC000  }
0x63: {  	[spmem:s11] =	stream.linear.scatter [tilespmem:s21], [sflag:$0x2], $0x4000, $0x38;
	[tilespmem:$0x1D000] =	vst v63  }
0x64: {  	_ =	swait.ge [sflag:s22], $0x4000  }
0x65: {  	[sflag:s22] =	ssyncset.done $0x0  }
0x66: {  	[sflag:s22] =	ssyncadd.s32 $0xFFFFC000  }
0x67: {  	[spmem:s12] =	stream.linear.scatter [tilespmem:s21], [sflag:$0x2], $0x4000, $0x38;
	[tilespmem:$0x1D000] =	vst v63  }
0x68: {  	_ =	swait.ge [sflag:s22], $0x4000  }
0x69: {  	[sflag:s22] =	ssyncset.done $0x0  }
0x6a: {  	s28 =	simm.s32 $0x0;
	[sflag:s22] =	ssyncadd.s32 $0xFFFFC000  }
0x6b: {  	[tilespmem:s28], [sflag:$0x2] =	stream.linear.gather [hbm4b:s13+s28], $0x2800, $0x38;
	[tilespmem:$0x1D000] =	vst v63  }
0x6c: {  	_ =	swait.ge [sflag:s22], $0x2800  }
0x6d: {  	[sflag:s22] =	ssyncset.done $0x0  }
0x6e: {  	[sflag:s22] =	ssyncadd.s32 $0xFFFFD800  }
0x6f: {  	[tilespmem:s23], [sflag:$0x2] =	stream.linear.gather [hbm4b:s14+s28], $0x2800, $0x38;
	[tilespmem:$0x1D000] =	vst v63  }
.Ltmp3:
0x70: {  	_ =	swait.ge [sflag:s22], $0x2800;
	(pc) =	sbr.rel @p0 .LBB2_7-.Ltmp3, $4  }
0x71: {  	[sflag:s22] =	ssyncset.done $0x0  }
0x72: {  	[sflag:s22] =	ssyncadd.s32 $0xFFFFD800  }
0x73: {  	[bflag:$0x0] =	sbarrier.arrive $0xFFFF  }
0x74: {  	s28 =	simm.s32 $0x0  }
0x75: {  	[tilespmem:s21], [sflag:$0x1] =	stream.indirect.gather [hbm4b:s5+s24], $0x80, s28, s24, $0xb8;
	[tilespmem:$0x1D000] =	vst v63  }
0x76: {  	_ =	swait.ge [sflag:s25], $0x4000  }
0x77: {  	[sflag:s25] =	ssyncset.done $0x0  }
0x78: {  	s28 =	simm.s32 $0x2800;
	[sflag:s25] =	ssyncadd.s32 $0xFFFFC000  }
0x79: {  	[spmem:s3] =	stream.indirect.scatter.add.f32 [tilespmem:s21], [sflag:$0x2], $0x80, s28, s24, $0xb8;
	[tilespmem:$0x1D000] =	vst v63  }
0x7a: {  	_ =	swait.ge [sflag:s22], $0x4000  }
0x7b: {  	s29 =	simm.s32 $0x400;
	s28 =	simm.s32 $0x200;
	[sflag:s22] =	ssyncset.done $0x0  }
.LBB2_5:
0x7c: {  	s30 =	sshra.s32 s28, $0x2  }
0x7d: {  	[sflag:s22] =	ssyncadd.s32 $0xFFFFC000;
	s28 =	smov.u32 s29;
	s31 =	sadd.s32 $0x200, s29  }
0x7e: {  	[tilespmem:s21], [sflag:$0x1] =	stream.indirect.gather [hbm4b:s5+s24], $0x80, s30, s24, $0xb8;
	[tilespmem:$0x1D000] =	vst v63  }
0x7f: {  	p1 =	seq.s32 s29, $0x9E00;
	_ =	swait.ge [sflag:s25], $0x4000  }
.Ltmp4:
0x80: {  	[sflag:s25] =	ssyncset.done $0x0;
	(pc) =	sbr.rel @!p1 .LBB2_5-.Ltmp4, $4  }
0x81: {  	s29 =	sadd.s32 $0x2800, s30;
	[sflag:s25] =	ssyncadd.s32 $0xFFFFC000  }
0x82: {  	[spmem:s3] =	stream.indirect.scatter.add.f32 [tilespmem:s21], [sflag:$0x2], $0x80, s29, s24, $0xb8;
	[tilespmem:$0x1D000] =	vst v63  }
0x83: {  	_ =	swait.ge [sflag:s22], $0x4000  }
0x84: {  	s29 =	smov.u32 s31;
	[sflag:s22] =	ssyncset.done $0x0  }
0x85: {  	s28 =	sshra.s32 s28, $0x2;
	[sflag:s22] =	ssyncadd.s32 $0xFFFFC000  }
0x86: {  	[tilespmem:s21], [sflag:$0x1] =	stream.indirect.gather [hbm4b:s5+s24], $0x80, s28, s24, $0xb8;
	[tilespmem:$0x1D000] =	vst v63  }
0x87: {  	_ =	swait.ge [sflag:s25], $0x4000  }
0x88: {  	[sflag:s25] =	ssyncset.done $0x0  }
.Ltmp5:
0x89: {  	s28 =	sadd.s32 $0x2800, s28;
	[sflag:s25] =	ssyncadd.s32 $0xFFFFC000;
	(pc) =	sbr.rel .LBB2_10-.Ltmp5, $4  }
0x8a: {  	[spmem:s3] =	stream.indirect.scatter.add.f32 [tilespmem:s21], [sflag:$0x2], $0x80, s28, s24, $0xb8;
	[tilespmem:$0x1D000] =	vst v63  }
0x8b: {  	_ =	swait.ge [sflag:s22], $0x4000  }
0x8c: {  	[sflag:s22] =	ssyncset.done $0x0  }
0x8d: {  	s28 =	smov.u32 s1;
	[sflag:s22] =	ssyncadd.s32 $0xFFFFC000  }
.LBB2_7:
0x8e: {  	[tilespmem:s21], [sflag:$0x1] =	stream.indirect.gather [hbm4b:s6+s24], $0x80, s28, s24, $0xb8;
	[tilespmem:$0x1D000] =	vst v63  }
0x8f: {  	_ =	swait.ge [sflag:s25], $0x4000  }
0x90: {  	[sflag:s25] =	ssyncset.done $0x0  }
0x91: {  	s28 =	simm.s32 $0x2800;
	[sflag:s25] =	ssyncadd.s32 $0xFFFFC000  }
0x92: {  	[spmem:s3] =	stream.indirect.scatter.add.f32 [tilespmem:s21], [sflag:$0x2], $0x80, s28, s24, $0xb8;
	[tilespmem:$0x1D000] =	vst v63  }
0x93: {  	_ =	swait.ge [sflag:s22], $0x4000  }
0x94: {  	s29 =	simm.s32 $0x400;
	s28 =	simm.s32 $0x200;
	[sflag:s22] =	ssyncset.done $0x0  }
.LBB2_8:
0x95: {  	s30 =	sshra.s32 s28, $0x2  }
0x96: {  	[sflag:s22] =	ssyncadd.s32 $0xFFFFC000;
	s28 =	smov.u32 s29;
	s31 =	sadd.s32 $0x200, s29  }
0x97: {  	[tilespmem:s21], [sflag:$0x1] =	stream.indirect.gather [hbm4b:s6+s24], $0x80, s30, s24, $0xb8;
	[tilespmem:$0x1D000] =	vst v63  }
0x98: {  	p1 =	sne.s32 s29, $0x9E00;
	_ =	swait.ge [sflag:s25], $0x4000  }
.Ltmp6:
0x99: {  	[sflag:s25] =	ssyncset.done $0x0;
	(pc) =	sbr.rel @p1 .LBB2_8-.Ltmp6, $4  }
0x9a: {  	s29 =	sadd.s32 $0x2800, s30;
	[sflag:s25] =	ssyncadd.s32 $0xFFFFC000  }
0x9b: {  	[spmem:s3] =	stream.indirect.scatter.add.f32 [tilespmem:s21], [sflag:$0x2], $0x80, s29, s24, $0xb8;
	[tilespmem:$0x1D000] =	vst v63  }
0x9c: {  	_ =	swait.ge [sflag:s22], $0x4000  }
0x9d: {  	s29 =	smov.u32 s31;
	[sflag:s22] =	ssyncset.done $0x0  }
.Ltmp7:
0x9e: {  	_ = 	snop;
	(pc) =	sbr.rel .LBB2_9-.Ltmp7, $1  }
0x9f: {  	_ =	sdelay $0x3  }
.LBB2_11:
0xa0: {  	_ =	sfence.sel $0x180000  }
0xa1: {  	[bflag:$0x0] =	sbarrier.arrive $0xFFFF  }
0xa2: {  	p0 =	sne.s32 s2, $0x0;
	_ =	strace $0x90000047  }
0xa3: {  	s0 =	sadd.s32 @!p0 $0x100000, s0;
	[bflag:$0x2] =	sbarrier.arrive $0xFFFF  }
0xa4: {  	[sflag:s0] =	ssyncadd.tile.s32 @!p0 $0x1;
	_ =	shalt  }
.Lfunc_end2:
_tile_overlayer_lowered:
.L_overlay_start_2:
0xa5: {  	(tag) =	ssettag $0x2  }
0xa6: {  	s0 =	rddreg [dreg:$0x0];
	s2 =	stileid.u32  }
0xa7: {  	s1 =	rddreg [dreg:$0x1];
	p0 =	sne.s32 s2, $0x0  }
0xa8: {  	s3 =	rddreg [dreg:$0x2];
	[bflag:$0x3] =	sbarrier.arrive $0xFFFF;
	s2 =	simm.s32 @!p0 $0x1C02  }
0xa9: {  	[timem:s3], [sflag:s2] =	dma.local @!p0 [hbm:s0], s1  }
0xaa: {  	s0 =	simm.s32 @!p0 $0x2  }
0xab: {  	_ =	swait.ge @!p0 [sflag:s0], s1  }
0xac: {  	s1 =	ssub.s32 @!p0 $0x0, s1;
	[sflag:s0] =	ssyncset.done @!p0 $0x0  }
0xad: {  	[sflag:s0] =	ssyncadd.s32 @!p0 s1  }
0xae: {  	[bflag:$0x3] =	sbarrier.arrive $0xFFFF  }
0xaf: {  	_ =	shalt  }

</sc_bundles>
